<compile_context>
chip_gen: v7x
topology: tpu7x:2x2x1
jax: 0.10.2.dev20260603
libtpu: 0.0.44.dev20260713+nightly
codegen_flags: <defaults>
</compile_context>

<pallas_src>
import functools

import jax
import jax.numpy as jnp
from jax import lax
from jax.experimental import pallas as pl
from jax.experimental.pallas import tpu as pltpu
from jax.experimental.pallas import tpu_sc as plsc

N = 10000
E = 160000
D = 256
R = 16
B = 256
H = 128
EPS = 1e-5

NPHASE = 2
DH = D // NPHASE
SPROWS = N + 8
STRIPE = 624
NTILES = 32
EDGES_PER_TILE = E // NTILES
CHUNK = 80
NCHUNKS = 63
PAD = NCHUNKS * CHUNK - EDGES_PER_TILE



def _idx_body(src_ref, et_ref, o_ref):
    o_ref[...] = et_ref[...] * N + src_ref[...]


def _edge_tables(src, etype, dst):
    gidx = pl.pallas_call(
        _idx_body,
        out_shape=jax.ShapeDtypeStruct((E // 128, 128), jnp.int32),
    )(src.reshape(E // 128, 128), etype.reshape(E // 128, 128))
    gidx_t = jnp.pad(gidx.reshape(NTILES, EDGES_PER_TILE), ((0, 0), (0, PAD)))
    dump = jnp.broadcast_to(N + jnp.arange(PAD, dtype=jnp.int32) % 8,
                            (NTILES, PAD))
    dst_t = jnp.concatenate(
        [dst.reshape(NTILES, EDGES_PER_TILE), dump], axis=1)
    return (gidx_t.reshape(NTILES, NCHUNKS, CHUNK),
            dst_t.reshape(NTILES, NCHUNKS, CHUNK))



def _mm_body(x_ref, w_ref, o0_ref, o1_ref):
    r = jnp.dot(x_ref[...], w_ref[0], preferred_element_type=jnp.float32)
    o0_ref[...] = r[:, :DH]
    o1_ref[...] = r[:, DH:]


def _rel_transform(x, w_rel):
    rows = 2000
    nblk = N // rows
    return pl.pallas_call(
        _mm_body,
        grid=(nblk, R),
        in_specs=[
            pl.BlockSpec((rows, D), lambda i, j: (i, 0)),
            pl.BlockSpec((1, D, D), lambda i, j: (j, 0, 0)),
        ],
        out_specs=[
            pl.BlockSpec((rows, DH), lambda i, j: (j * nblk + i, 0)),
            pl.BlockSpec((rows, DH), lambda i, j: (j * nblk + i, 0)),
        ],
        out_shape=[
            jax.ShapeDtypeStruct((R * N, DH), jnp.float32),
            jax.ShapeDtypeStruct((R * N, DH), jnp.float32),
        ],
    )(x, w_rel)



def _sc_aggregate(xr0, xr1, gidx_t, dst_t):
    mesh = plsc.VectorSubcoreMesh(core_axis_name="c", subcore_axis_name="s")

    @functools.partial(
        pl.kernel,
        mesh=mesh,
        out_type=jax.ShapeDtypeStruct((2 * NPHASE * N, DH), jnp.float32),
        scratch_types=[
            pltpu.VMEM((NCHUNKS, CHUNK), jnp.int32),
            pltpu.VMEM((NCHUNKS, CHUNK), jnp.int32),
            pltpu.VMEM((3, CHUNK, DH), jnp.float32),
            pltpu.VMEM((16, DH), jnp.float32),
            pltpu.VMEM_SHARED((SPROWS, DH), jnp.float32),
            pltpu.SemaphoreType.DMA,
            pltpu.SemaphoreType.DMA,
            pltpu.SemaphoreType.DMA,
        ],
    )
    def k(xr0_hbm, xr1_hbm, gidx_hbm, dst_hbm, out_hbm,
          idx2d, ldst2d, rows3, zero_v, agg_sh, sem0, sem1, sem2):
        cid = lax.axis_index("c")
        sid = lax.axis_index("s")
        tid = cid * 16 + sid

        pltpu.sync_copy(gidx_hbm.at[tid], idx2d)
        pltpu.sync_copy(dst_hbm.at[tid], ldst2d)

        nz = DH // 16

        def zfill(i, c):
            zero_v[i // nz, pl.ds((i % nz) * 16, 16)] = jnp.zeros(
                (16,), jnp.float32)
            return c
        lax.fori_loop(0, 16 * nz, zfill, 0)

        base = sid * STRIPE

        def run_phase(q, xr_hbm):
            def zcopy(i, c):
                pltpu.sync_copy(zero_v, agg_sh.at[pl.ds(base + i * 16, 16)])
                return c
            lax.fori_loop(0, STRIPE // 16, zcopy, 0)

            @pl.when(sid == 15)
            def _():
                pltpu.sync_copy(zero_v, agg_sh.at[pl.ds(16 * STRIPE, 16)])
                pltpu.sync_copy(zero_v.at[pl.ds(0, 8)], agg_sh.at[pl.ds(N, 8)])
            plsc.subcore_barrier()

            pltpu.async_copy(xr_hbm.at[idx2d.at[0]], rows3.at[0], sem0)
            pltpu.async_copy(xr_hbm.at[idx2d.at[1]], rows3.at[1], sem1)

            def chunk_body(ch, carry):
                nn = ch + 2
                for b, sem in ((0, sem0), (1, sem1), (2, sem2)):
                    @pl.when((nn < NCHUNKS) & (nn % 3 == b))
                    def _(b=b, sem=sem):
                        pltpu.async_copy(xr_hbm.at[idx2d.at[nn]],
                                         rows3.at[b], sem)
                for b, sem in ((0, sem0), (1, sem1), (2, sem2)):
                    @pl.when(ch % 3 == b)
                    def _(b=b, sem=sem):
                        pltpu.make_async_copy(xr_hbm.at[pl.ds(0, CHUNK)],
                                              rows3.at[b], sem).wait()
                        pltpu.sync_copy(rows3.at[b],
                                        agg_sh.at[ldst2d.at[ch]], add=True)
                return carry
            lax.fori_loop(0, NCHUNKS, chunk_body, 0)
            plsc.subcore_barrier()

            obase = (cid * NPHASE + q) * N
            pltpu.sync_copy(agg_sh.at[pl.ds(base, STRIPE)],
                            out_hbm.at[pl.ds(obase + base, STRIPE)])

            @pl.when(sid == 15)
            def _():
                pltpu.sync_copy(
                    agg_sh.at[pl.ds(16 * STRIPE, N - 16 * STRIPE)],
                    out_hbm.at[pl.ds(obase + 16 * STRIPE, N - 16 * STRIPE)])
            plsc.subcore_barrier()

        run_phase(0, xr0_hbm)
        run_phase(1, xr1_hbm)

    return k(xr0, xr1, gidx_t, dst_t)



def _post_body(p_ref, x_ref, gid_ref,
               b_rel, res_W, res_b, bn_g, bn_b,
               att_w_row, att_b,
               fc1_W, fc1_b, bn1_g, bn1_b,
               fc2_W, fc2_b, bn2_g, bn2_b,
               fc3_W, fc3_b, bn3_g, bn3_b,
               out_W, out_b, o_ref):
    x = x_ref[...]
    p = p_ref[...]
    agg = jnp.concatenate(
        [p[0, q] + p[1, q] for q in range(NPHASE)], axis=1)
    h = jnp.maximum(agg + b_rel[...], 0.0)
    res = jnp.maximum(
        jnp.dot(x, res_W[...], preferred_element_type=jnp.float32)
        + res_b[...], 0.0)
    h = h + res
    m = jnp.mean(h, axis=0, keepdims=True)
    v = jnp.mean((h - m) * (h - m), axis=0, keepdims=True)
    h = (h - m) / jnp.sqrt(v + EPS) * bn_g[...] + bn_b[...]
    z = jnp.sum(h * att_w_row[...], axis=1, keepdims=True) + att_b[...]
    w = 1.0 / (1.0 + jnp.exp(-z))
    hw = h * w
    sel = (lax.broadcasted_iota(jnp.int32, (B, N), 0)
           == gid_ref[...]).astype(jnp.float32)
    g = jnp.dot(sel, hw, preferred_element_type=jnp.float32)

    def fc(t, Wk, bk, gk, btk):
        y = jnp.maximum(
            jnp.dot(t, Wk[...], preferred_element_type=jnp.float32)
            + bk[...], 0.0)
        mm = jnp.mean(y, axis=0, keepdims=True)
        vv = jnp.mean((y - mm) * (y - mm), axis=0, keepdims=True)
        return (y - mm) / jnp.sqrt(vv + EPS) * gk[...] + btk[...]

    h1 = fc(g, fc1_W, fc1_b, bn1_g, bn1_b)
    h2 = fc(h1, fc2_W, fc2_b, bn2_g, bn2_b)
    h3 = fc(h2, fc3_W, fc3_b, bn3_g, bn3_b)
    o_ref[...] = (jnp.dot(h3, out_W[...], preferred_element_type=jnp.float32)
                  + out_b[...])


def _postprocess(partials, x, gid2d, p):
    args = (
        partials, x, gid2d,
        p['b_rel'].reshape(1, D), p['res_W'], p['res_b'].reshape(1, D),
        p['bn_g'].reshape(1, D), p['bn_b'].reshape(1, D),
        p['att_W'].reshape(1, D), p['att_b'].reshape(1, 1),
        p['fc1_W'], p['fc1_b'].reshape(1, H),
        p['bn1_g'].reshape(1, H), p['bn1_b'].reshape(1, H),
        p['fc2_W'], p['fc2_b'].reshape(1, H),
        p['bn2_g'].reshape(1, H), p['bn2_b'].reshape(1, H),
        p['fc3_W'], p['fc3_b'].reshape(1, H),
        p['bn3_g'].reshape(1, H), p['bn3_b'].reshape(1, H),
        p['out_W'], p['out_b'].reshape(1, 1),
    )
    return pl.pallas_call(
        _post_body,
        out_shape=jax.ShapeDtypeStruct((B, 1), jnp.float32),
    )(*args)


def kernel(node_feats, params, edge_index, etype, graph_ids):
    gidx_t, dst_t = _edge_tables(edge_index[0], etype, edge_index[1])
    xr0, xr1 = _rel_transform(node_feats, params['W_rel'])
    partials = _sc_aggregate(xr0, xr1, gidx_t, dst_t)
    gid2d = graph_ids.reshape(1, N)
    return _postprocess(partials.reshape(2, NPHASE, N, DH),
                        node_feats, gid2d, params)

# --- scband reference (transcript-rebuilt; emitter-appended) ---
"""Pipeline reference for scband-aqua-tox-predictor-89970974916966 (READ-ONLY COPY).

The authoritative reference and input builder live on the scoring server;
editing this copy changes nothing except your own understanding.
"""

import jax, jax.numpy as jnp
import numpy as np

N = 10000   # nodes in batched graph
E = 160000  # edges
D = 256     # feature dim (in_feats == rgcn_hidden_feats[-1])
R = 16      # relation (edge) types
B = 256     # number of molecules in batch
H = 128     # classifier_hidden_feats
EPS = 1e-5


def _xavier(k, shape):
    fan_in, fan_out = shape[-2], shape[-1]
    limit = (6.0 / (fan_in + fan_out)) ** 0.5
    return jax.random.uniform(k, shape, minval=-limit, maxval=limit, dtype=jnp.float32)


def setup_inputs(seed: int = 0) -> dict:
    key = jax.random.key(seed)
    ks = jax.random.split(key, 20)
    node_feats = jax.random.normal(ks[0], (N, D), dtype=jnp.float32)
    edge_index = jax.random.randint(ks[1], (2, E), 0, N, dtype=jnp.int32)
    etype = jax.random.randint(ks[2], (E,), 0, R, dtype=jnp.int32)
    graph_ids = jnp.sort(jax.random.randint(ks[3], (N,), 0, B, dtype=jnp.int32))
    params = {
        # RGCN layer (basis regularizer with num_bases=num_rels == per-relation weight)
        'W_rel': _xavier(ks[4], (R, D, D)),
        'b_rel': jnp.zeros((D,), jnp.float32),
        'res_W': _xavier(ks[5], (D, D)),
        'res_b': jnp.zeros((D,), jnp.float32),
        'bn_g': jnp.ones((D,), jnp.float32),
        'bn_b': jnp.zeros((D,), jnp.float32),
        # WeightAndSum readout (task-specific + shared attention heads)
        'att_W': _xavier(ks[6], (D, 1)),
        'att_b': jnp.zeros((1,), jnp.float32),
        'att_sh_W': _xavier(ks[7], (D, 1)),
        'att_sh_b': jnp.zeros((1,), jnp.float32),
        # task-0 classifier head (3 fc blocks + output)
        'fc1_W': _xavier(ks[8], (D, H)), 'fc1_b': jnp.zeros((H,), jnp.float32),
        'bn1_g': jnp.ones((H,), jnp.float32), 'bn1_b': jnp.zeros((H,), jnp.float32),
        'fc2_W': _xavier(ks[9], (H, H)), 'fc2_b': jnp.zeros((H,), jnp.float32),
        'bn2_g': jnp.ones((H,), jnp.float32), 'bn2_b': jnp.zeros((H,), jnp.float32),
        'fc3_W': _xavier(ks[10], (H, H)), 'fc3_b': jnp.zeros((H,), jnp.float32),
        'bn3_g': jnp.ones((H,), jnp.float32), 'bn3_b': jnp.zeros((H,), jnp.float32),
        'out_W': _xavier(ks[11], (H, 1)), 'out_b': jnp.zeros((1,), jnp.float32),
    }
    return {
        'node_feats': node_feats,
        'params': params,
        'edge_index': edge_index,
        'etype': etype,
        'graph_ids': graph_ids,
    }


def _batchnorm(x, g, b):
    m = jnp.mean(x, axis=0)
    v = jnp.var(x, axis=0)
    return (x - m) / jnp.sqrt(v + EPS) * g + b


def _forward(node_feats, params, edge_index, etype, graph_ids):
    src = edge_index[0]
    dst = edge_index[1]
    # --- RGCNLayer: relation-typed message passing ---
    # Transform every node by every relation weight, then gather per-edge by (src, etype).
    xr = jnp.einsum('nd,rdf->nrf', node_feats, params['W_rel'])  # [N, R, D]
    msgs = xr[src, etype]                                        # [E, D] gather
    agg = jax.ops.segment_sum(msgs, dst, num_segments=N) + params['b_rel']
    h = jax.nn.relu(agg)
    # residual connection
    res = jax.nn.relu(node_feats @ params['res_W'] + params['res_b'])
    h = h + res
    # batchnorm (training-mode batch stats)
    h = _batchnorm(h, params['bn_g'], params['bn_b'])
    # --- WeightAndSum readout ---
    w = jax.nn.sigmoid(h @ params['att_W'] + params['att_b'])          # [N, 1]
    g = jax.ops.segment_sum(h * w, graph_ids, num_segments=B)         # [B, D]
    # shared weighting branch (computed in torch, unused when attention=True)
    w_sh = jax.nn.sigmoid(h @ params['att_sh_W'] + params['att_sh_b'])
    _g_sh = jax.ops.segment_sum(h * w_sh, graph_ids, num_segments=B)
    # --- task-0 classifier head ---
    def fc(x, Wk, bk, gk, btk):
        y = jax.nn.relu(x @ params[Wk] + params[bk])
        return _batchnorm(y, params[gk], params[btk])
    h1 = fc(g, 'fc1_W', 'fc1_b', 'bn1_g', 'bn1_b')
    h2 = fc(h1, 'fc2_W', 'fc2_b', 'bn2_g', 'bn2_b')
    h3 = fc(h2, 'fc3_W', 'fc3_b', 'bn3_g', 'bn3_b')
    pred = h3 @ params['out_W'] + params['out_b']  # [B, 1] (n_tasks=1)
    return pred


def reference(node_feats, params, edge_index, etype, graph_ids):
    return _forward(node_feats, params, edge_index, etype, graph_ids)

if __name__ == "__main__":
    import jax
    _d = setup_inputs()
    print(jax.jit(kernel)(*tuple(_d.values())))

</pallas_src>

<mosaic_0001>
#map = affine_map<(d0, d1) -> (0, 0)>
#map1 = affine_map<(d0, d1) -> (0, 0, 0)>
module attributes {stable_mosaic.version = 14 : i64} {
  func.func @k(%arg0: i32, %arg1: i32, %arg2: memref<160000x128xf32, #tpu.memory_space<hbm>>, %arg3: memref<160000x128xf32, #tpu.memory_space<hbm>>, %arg4: memref<32x63x80xi32, #tpu.memory_space<hbm>>, %arg5: memref<32x63x80xi32, #tpu.memory_space<hbm>>, %arg6: memref<40000x128xf32, #tpu.memory_space<hbm>>, %arg7: memref<63x80xi32, #tpu.memory_space<vmem>>, %arg8: memref<63x80xi32, #tpu.memory_space<vmem>>, %arg9: memref<3x80x128xf32, #tpu.memory_space<vmem>>, %arg10: memref<16x128xf32, #tpu.memory_space<vmem>>, %arg11: memref<10008x128xf32, #tpu.memory_space<vmem_shared>>, %arg12: memref<!tpu.dma_semaphore, #tpu.memory_space<semaphore_mem>>, %arg13: memref<!tpu.dma_semaphore, #tpu.memory_space<semaphore_mem>>, %arg14: memref<!tpu.dma_semaphore, #tpu.memory_space<semaphore_mem>>) attributes {dimension_semantics = [#tpu.dimension_semantics<core_parallel>, #tpu.dimension_semantics<subcore_parallel>], iteration_bounds = array<i64: 2, 16>, scalar_prefetch = 0 : i64, scratch_operands = 8 : i64, tpu.core_type = #tpu.core_type<sc_vector_subcore>, window_params = [{transform_indices = #map}, {transform_indices = #map}, {transform_indices = #map1}, {transform_indices = #map1}, {transform_indices = #map}]} {
    %mul3A = arith.constant 16 : i32
    %mul3A_0 = arith.muli %arg0, %mul3A : i32
    %add3A = arith.addi %mul3A_0, %arg1 : i32
    "tpu.region"() ({
      %run_scoped3A = tpu.sem_alloc : memref<!tpu.dma_semaphore, #tpu.memory_space<semaphore_mem>>
      %dma_start3A_115 = arith.constant 0 : i32
      %dma_start3A_116 = arith.constant 0 : i32
      %dma_start3A_117 = tpu.memref_slice %arg4[%add3A, %dma_start3A_115, %dma_start3A_116] : memref<32x63x80xi32, #tpu.memory_space<hbm>> -> memref<1x63x80xi32, #tpu.memory_space<hbm>>
      %dma_start3A_118 = tpu.memref_squeeze %dma_start3A_117 : memref<1x63x80xi32, #tpu.memory_space<hbm>> -> memref<63x80xi32, #tpu.memory_space<hbm>>
      %dma_start3A_119 = arith.constant 0 : i32
      %dma_start3A_120 = arith.constant 0 : i32
      %dma_start3A_121 = tpu.memref_slice %arg4[%add3A, %dma_start3A_119, %dma_start3A_120] : memref<32x63x80xi32, #tpu.memory_space<hbm>> -> memref<1x63x80xi32, #tpu.memory_space<hbm>>
      %dma_start3A_122 = tpu.memref_squeeze %dma_start3A_121 : memref<1x63x80xi32, #tpu.memory_space<hbm>> -> memref<63x80xi32, #tpu.memory_space<hbm>>
      tpu.enqueue_dma source(%dma_start3A_122 : memref<63x80xi32, #tpu.memory_space<hbm>>) target(%arg7 : memref<63x80xi32, #tpu.memory_space<vmem>>) target_semaphore(%run_scoped3A : memref<!tpu.dma_semaphore, #tpu.memory_space<semaphore_mem>>)
      %dma_wait3A = arith.constant 0 : i32
      %dma_wait3A_123 = arith.constant 0 : i32
      %dma_wait3A_124 = tpu.memref_slice %arg4[%add3A, %dma_wait3A, %dma_wait3A_123] : memref<32x63x80xi32, #tpu.memory_space<hbm>> -> memref<1x63x80xi32, #tpu.memory_space<hbm>>
      %dma_wait3A_125 = tpu.memref_squeeze %dma_wait3A_124 : memref<1x63x80xi32, #tpu.memory_space<hbm>> -> memref<63x80xi32, #tpu.memory_space<hbm>>
      %dma_wait3A_126 = arith.constant 0 : i32
      %dma_wait3A_127 = arith.constant 0 : i32
      %dma_wait3A_128 = tpu.memref_slice %arg4[%add3A, %dma_wait3A_126, %dma_wait3A_127] : memref<32x63x80xi32, #tpu.memory_space<hbm>> -> memref<1x63x80xi32, #tpu.memory_space<hbm>>
      %dma_wait3A_129 = tpu.memref_squeeze %dma_wait3A_128 : memref<1x63x80xi32, #tpu.memory_space<hbm>> -> memref<63x80xi32, #tpu.memory_space<hbm>>
      tpu.wait_dma2 semaphore(%run_scoped3A : memref<!tpu.dma_semaphore, #tpu.memory_space<semaphore_mem>>) src(%dma_wait3A_129 : memref<63x80xi32, #tpu.memory_space<hbm>>) dst(%arg7 : memref<63x80xi32, #tpu.memory_space<vmem>>)
      tpu.yield
    }) : () -> ()
    "tpu.region"() ({
      %run_scoped3A = tpu.sem_alloc : memref<!tpu.dma_semaphore, #tpu.memory_space<semaphore_mem>>
      %dma_start3A_115 = arith.constant 0 : i32
      %dma_start3A_116 = arith.constant 0 : i32
      %dma_start3A_117 = tpu.memref_slice %arg5[%add3A, %dma_start3A_115, %dma_start3A_116] : memref<32x63x80xi32, #tpu.memory_space<hbm>> -> memref<1x63x80xi32, #tpu.memory_space<hbm>>
      %dma_start3A_118 = tpu.memref_squeeze %dma_start3A_117 : memref<1x63x80xi32, #tpu.memory_space<hbm>> -> memref<63x80xi32, #tpu.memory_space<hbm>>
      %dma_start3A_119 = arith.constant 0 : i32
      %dma_start3A_120 = arith.constant 0 : i32
      %dma_start3A_121 = tpu.memref_slice %arg5[%add3A, %dma_start3A_119, %dma_start3A_120] : memref<32x63x80xi32, #tpu.memory_space<hbm>> -> memref<1x63x80xi32, #tpu.memory_space<hbm>>
      %dma_start3A_122 = tpu.memref_squeeze %dma_start3A_121 : memref<1x63x80xi32, #tpu.memory_space<hbm>> -> memref<63x80xi32, #tpu.memory_space<hbm>>
      tpu.enqueue_dma source(%dma_start3A_122 : memref<63x80xi32, #tpu.memory_space<hbm>>) target(%arg8 : memref<63x80xi32, #tpu.memory_space<vmem>>) target_semaphore(%run_scoped3A : memref<!tpu.dma_semaphore, #tpu.memory_space<semaphore_mem>>)
      %dma_wait3A = arith.constant 0 : i32
      %dma_wait3A_123 = arith.constant 0 : i32
      %dma_wait3A_124 = tpu.memref_slice %arg5[%add3A, %dma_wait3A, %dma_wait3A_123] : memref<32x63x80xi32, #tpu.memory_space<hbm>> -> memref<1x63x80xi32, #tpu.memory_space<hbm>>
      %dma_wait3A_125 = tpu.memref_squeeze %dma_wait3A_124 : memref<1x63x80xi32, #tpu.memory_space<hbm>> -> memref<63x80xi32, #tpu.memory_space<hbm>>
      %dma_wait3A_126 = arith.constant 0 : i32
      %dma_wait3A_127 = arith.constant 0 : i32
      %dma_wait3A_128 = tpu.memref_slice %arg5[%add3A, %dma_wait3A_126, %dma_wait3A_127] : memref<32x63x80xi32, #tpu.memory_space<hbm>> -> memref<1x63x80xi32, #tpu.memory_space<hbm>>
      %dma_wait3A_129 = tpu.memref_squeeze %dma_wait3A_128 : memref<1x63x80xi32, #tpu.memory_space<hbm>> -> memref<63x80xi32, #tpu.memory_space<hbm>>
      tpu.wait_dma2 semaphore(%run_scoped3A : memref<!tpu.dma_semaphore, #tpu.memory_space<semaphore_mem>>) src(%dma_wait3A_129 : memref<63x80xi32, #tpu.memory_space<hbm>>) dst(%arg8 : memref<63x80xi32, #tpu.memory_space<vmem>>)
      tpu.yield
    }) : () -> ()
    %scan3A = arith.constant 0 : i32
    %scan3A_1 = arith.constant 0 : i32
    %scan3A_2 = arith.constant 128 : i32
    %scan3A_3 = arith.addi %scan3A_1, %scan3A_2 : i32
    %scan3A_4 = arith.constant 1 : i32
    scf.for %scan3A_115 = %scan3A_1 to %scan3A_3 step %scan3A_4  : i32 {
      %broadcast_in_dim3A = arith.constant 0.000000e+00 : f32
      %broadcast_in_dim3A_116 = vector.broadcast %broadcast_in_dim3A : f32 to vector<16xf32>
      %jit3A = arith.constant 8 : i32
      %div3A = arith.divsi %scan3A_115, %jit3A : i32
      %sign3A = arith.constant 0 : i32
      %sign3A_117 = arith.cmpi sgt, %scan3A_115, %sign3A : i32
      %sign3A_118 = arith.extui %sign3A_117 : i1 to i32
      %sign3A_119 = arith.constant 0 : i32
      %sign3A_120 = arith.cmpi slt, %scan3A_115, %sign3A_119 : i32
      %sign3A_121 = arith.extui %sign3A_120 : i1 to i32
      %sign3A_122 = arith.subi %sign3A_118, %sign3A_121 : i32
      %sign3A_123 = arith.constant 0 : i32
      %sign3A_124 = arith.cmpi sgt, %jit3A, %sign3A_123 : i32
      %sign3A_125 = arith.extui %sign3A_124 : i1 to i32
      %sign3A_126 = arith.constant 0 : i32
      %sign3A_127 = arith.cmpi slt, %jit3A, %sign3A_126 : i32
      %sign3A_128 = arith.extui %sign3A_127 : i1 to i32
      %sign3A_129 = arith.subi %sign3A_125, %sign3A_128 : i32
      %ne3A = arith.cmpi ne, %sign3A_122, %sign3A_129 : i32
      %rem3A = arith.remsi %scan3A_115, %jit3A : i32
      %ne3A_130 = arith.constant 0 : i32
      %ne3A_131 = arith.cmpi ne, %rem3A, %ne3A_130 : i32
      %and3A = arith.andi %ne3A, %ne3A_131 : i1
      %sub3A = arith.constant 1 : i32
      %sub3A_132 = arith.subi %div3A, %sub3A : i32
      %select_n3A = arith.select %and3A, %sub3A_132, %div3A : i32
      %jit3A_133 = arith.constant 8 : i32
      %eq3A_134 = arith.constant 0 : i32
      %eq3A_135 = arith.cmpi eq, %jit3A_133, %eq3A_134 : i32
      %jit3A_136 = arith.constant 1 : i32
      %select_n3A_137 = arith.select %eq3A_135, %jit3A_136, %jit3A_133 : i32
      %rem3A_138 = arith.remsi %scan3A_115, %select_n3A_137 : i32
      %ne3A_139 = arith.constant 0 : i32
      %ne3A_140 = arith.cmpi ne, %rem3A_138, %ne3A_139 : i32
      %lt3A = arith.constant 0 : i32
      %lt3A_141 = arith.cmpi slt, %rem3A_138, %lt3A : i32
      %lt3A_142 = arith.constant 0 : i32
      %lt3A_143 = arith.cmpi slt, %select_n3A_137, %lt3A_142 : i32
      %ne3A_144 = arith.xori %lt3A_141, %lt3A_143 : i1
      %and3A_145 = arith.andi %ne3A_144, %ne3A_140 : i1
      %add3A_146 = arith.addi %rem3A_138, %select_n3A_137 : i32
      %select_n3A_147 = arith.select %and3A_145, %add3A_146, %rem3A_138 : i32
      %mul3A_148 = arith.constant 16 : i32
      %mul3A_149 = arith.muli %select_n3A_147, %mul3A_148 : i32
      %swap3A = arith.index_cast %select_n3A : i32 to index
      %swap3A_150 = arith.index_cast %mul3A_149 : i32 to index
      %swap3A_151 = tpu.vector_load %arg10[%swap3A, %swap3A_150] {strides = array<i32>} : memref<16x128xf32, #tpu.memory_space<vmem>>, vector<1x16xf32>,
      %swap3A_152 = vector.shape_cast %swap3A_151 : vector<1x16xf32> to vector<16xf32>
      %swap3A_153 = vector.shape_cast %broadcast_in_dim3A_116 : vector<16xf32> to vector<1x16xf32>
      tpu.vector_store %arg10[%swap3A, %swap3A_150], %swap3A_153 {strides = array<i32>} : memref<16x128xf32, #tpu.memory_space<vmem>>, vector<1x16xf32>,
    }
    %scan3A_5 = arith.constant 128 : i32
    %mul3A_6 = arith.constant 624 : i32
    %mul3A_7 = arith.muli %arg1, %mul3A_6 : i32
    %scan3A_8 = arith.constant 0 : i32
    %scan3A_9 = arith.constant 0 : i32
    %scan3A_10 = arith.constant 39 : i32
    %scan3A_11 = arith.addi %scan3A_9, %scan3A_10 : i32
    %scan3A_12 = arith.constant 1 : i32
    scf.for %scan3A_115 = %scan3A_9 to %scan3A_11 step %scan3A_12  : i32 {
      %mul3A_116 = arith.constant 16 : i32
      %mul3A_117 = arith.muli %scan3A_115, %mul3A_116 : i32
      %add3A_118 = arith.addi %mul3A_7, %mul3A_117 : i32
      "tpu.region"() ({
        %run_scoped3A = tpu.sem_alloc : memref<!tpu.dma_semaphore, #tpu.memory_space<semaphore_mem>>
        %dma_start3A_119 = arith.constant 0 : i32
        %dma_start3A_120 = tpu.memref_slice %arg11[%add3A_118, %dma_start3A_119] : memref<10008x128xf32, #tpu.memory_space<vmem_shared>> -> memref<16x128xf32, #tpu.memory_space<vmem_shared>>
        %dma_start3A_121 = arith.constant 0 : i32
        %dma_start3A_122 = tpu.memref_slice %arg11[%add3A_118, %dma_start3A_121] : memref<10008x128xf32, #tpu.memory_space<vmem_shared>> -> memref<16x128xf32, #tpu.memory_space<vmem_shared>>
        tpu.enqueue_dma source(%arg10 : memref<16x128xf32, #tpu.memory_space<vmem>>) target(%dma_start3A_122 : memref<16x128xf32, #tpu.memory_space<vmem_shared>>) target_semaphore(%run_scoped3A : memref<!tpu.dma_semaphore, #tpu.memory_space<semaphore_mem>>)
        %dma_wait3A = arith.constant 0 : i32
        %dma_wait3A_123 = tpu.memref_slice %arg11[%add3A_118, %dma_wait3A] : memref<10008x128xf32, #tpu.memory_space<vmem_shared>> -> memref<16x128xf32, #tpu.memory_space<vmem_shared>>
        %dma_wait3A_124 = arith.constant 0 : i32
        %dma_wait3A_125 = tpu.memref_slice %arg11[%add3A_118, %dma_wait3A_124] : memref<10008x128xf32, #tpu.memory_space<vmem_shared>> -> memref<16x128xf32, #tpu.memory_space<vmem_shared>>
        tpu.wait_dma2 semaphore(%run_scoped3A : memref<!tpu.dma_semaphore, #tpu.memory_space<semaphore_mem>>) src(%arg10 : memref<16x128xf32, #tpu.memory_space<vmem>>) dst(%dma_wait3A_125 : memref<16x128xf32, #tpu.memory_space<vmem_shared>>)
        tpu.yield
      }) : () -> ()
    }
    %scan3A_13 = arith.constant 39 : i32
    %eq3A = arith.constant 15 : i32
    %eq3A_14 = arith.cmpi eq, %arg1, %eq3A : i32
    %convert_element_type3A = arith.extui %eq3A_14 : i1 to i32
    %cond3A = arith.constant 0 : i32
    %cond3A_15 = arith.cmpi ne, %convert_element_type3A, %cond3A : i32
    scf.if %cond3A_15 {
      "tpu.region"() ({
        %run_scoped3A = tpu.sem_alloc : memref<!tpu.dma_semaphore, #tpu.memory_space<semaphore_mem>>
        %dma_start3A_115 = arith.constant 9984 : i32
        %dma_start3A_116 = arith.constant 0 : i32
        %dma_start3A_117 = tpu.memref_slice %arg11[%dma_start3A_115, %dma_start3A_116] : memref<10008x128xf32, #tpu.memory_space<vmem_shared>> -> memref<16x128xf32, #tpu.memory_space<vmem_shared>>
        %dma_start3A_118 = arith.constant 9984 : i32
        %dma_start3A_119 = arith.constant 0 : i32
        %dma_start3A_120 = tpu.memref_slice %arg11[%dma_start3A_118, %dma_start3A_119] : memref<10008x128xf32, #tpu.memory_space<vmem_shared>> -> memref<16x128xf32, #tpu.memory_space<vmem_shared>>
        tpu.enqueue_dma source(%arg10 : memref<16x128xf32, #tpu.memory_space<vmem>>) target(%dma_start3A_120 : memref<16x128xf32, #tpu.memory_space<vmem_shared>>) target_semaphore(%run_scoped3A : memref<!tpu.dma_semaphore, #tpu.memory_space<semaphore_mem>>)
        %dma_wait3A = arith.constant 9984 : i32
        %dma_wait3A_121 = arith.constant 0 : i32
        %dma_wait3A_122 = tpu.memref_slice %arg11[%dma_wait3A, %dma_wait3A_121] : memref<10008x128xf32, #tpu.memory_space<vmem_shared>> -> memref<16x128xf32, #tpu.memory_space<vmem_shared>>
        %dma_wait3A_123 = arith.constant 9984 : i32
        %dma_wait3A_124 = arith.constant 0 : i32
        %dma_wait3A_125 = tpu.memref_slice %arg11[%dma_wait3A_123, %dma_wait3A_124] : memref<10008x128xf32, #tpu.memory_space<vmem_shared>> -> memref<16x128xf32, #tpu.memory_space<vmem_shared>>
        tpu.wait_dma2 semaphore(%run_scoped3A : memref<!tpu.dma_semaphore, #tpu.memory_space<semaphore_mem>>) src(%arg10 : memref<16x128xf32, #tpu.memory_space<vmem>>) dst(%dma_wait3A_125 : memref<16x128xf32, #tpu.memory_space<vmem_shared>>)
        tpu.yield
      }) : () -> ()
      "tpu.region"() ({
        %run_scoped3A = tpu.sem_alloc : memref<!tpu.dma_semaphore, #tpu.memory_space<semaphore_mem>>
        %dma_start3A_115 = arith.constant 0 : i32
        %dma_start3A_116 = arith.constant 0 : i32
        %dma_start3A_117 = tpu.memref_slice %arg10[%dma_start3A_115, %dma_start3A_116] : memref<16x128xf32, #tpu.memory_space<vmem>> -> memref<8x128xf32, #tpu.memory_space<vmem>>
        %dma_start3A_118 = arith.constant 10000 : i32
        %dma_start3A_119 = arith.constant 0 : i32
        %dma_start3A_120 = tpu.memref_slice %arg11[%dma_start3A_118, %dma_start3A_119] : memref<10008x128xf32, #tpu.memory_space<vmem_shared>> -> memref<8x128xf32, #tpu.memory_space<vmem_shared>>
        %dma_start3A_121 = arith.constant 10000 : i32
        %dma_start3A_122 = arith.constant 0 : i32
        %dma_start3A_123 = tpu.memref_slice %arg11[%dma_start3A_121, %dma_start3A_122] : memref<10008x128xf32, #tpu.memory_space<vmem_shared>> -> memref<8x128xf32, #tpu.memory_space<vmem_shared>>
        %dma_start3A_124 = arith.constant 0 : i32
        %dma_start3A_125 = arith.constant 0 : i32
        %dma_start3A_126 = tpu.memref_slice %arg10[%dma_start3A_124, %dma_start3A_125] : memref<16x128xf32, #tpu.memory_space<vmem>> -> memref<8x128xf32, #tpu.memory_space<vmem>>
        tpu.enqueue_dma source(%dma_start3A_126 : memref<8x128xf32, #tpu.memory_space<vmem>>) target(%dma_start3A_123 : memref<8x128xf32, #tpu.memory_space<vmem_shared>>) target_semaphore(%run_scoped3A : memref<!tpu.dma_semaphore, #tpu.memory_space<semaphore_mem>>)
        %dma_wait3A = arith.constant 0 : i32
        %dma_wait3A_127 = arith.constant 0 : i32
        %dma_wait3A_128 = tpu.memref_slice %arg10[%dma_wait3A, %dma_wait3A_127] : memref<16x128xf32, #tpu.memory_space<vmem>> -> memref<8x128xf32, #tpu.memory_space<vmem>>
        %dma_wait3A_129 = arith.constant 10000 : i32
        %dma_wait3A_130 = arith.constant 0 : i32
        %dma_wait3A_131 = tpu.memref_slice %arg11[%dma_wait3A_129, %dma_wait3A_130] : memref<10008x128xf32, #tpu.memory_space<vmem_shared>> -> memref<8x128xf32, #tpu.memory_space<vmem_shared>>
        %dma_wait3A_132 = arith.constant 10000 : i32
        %dma_wait3A_133 = arith.constant 0 : i32
        %dma_wait3A_134 = tpu.memref_slice %arg11[%dma_wait3A_132, %dma_wait3A_133] : memref<10008x128xf32, #tpu.memory_space<vmem_shared>> -> memref<8x128xf32, #tpu.memory_space<vmem_shared>>
        %dma_wait3A_135 = arith.constant 0 : i32
        %dma_wait3A_136 = arith.constant 0 : i32
        %dma_wait3A_137 = tpu.memref_slice %arg10[%dma_wait3A_135, %dma_wait3A_136] : memref<16x128xf32, #tpu.memory_space<vmem>> -> memref<8x128xf32, #tpu.memory_space<vmem>>
        tpu.wait_dma2 semaphore(%run_scoped3A : memref<!tpu.dma_semaphore, #tpu.memory_space<semaphore_mem>>) src(%dma_wait3A_137 : memref<8x128xf32, #tpu.memory_space<vmem>>) dst(%dma_wait3A_134 : memref<8x128xf32, #tpu.memory_space<vmem_shared>>)
        tpu.yield
      }) : () -> ()
    } else {
    }
    %barrier3A = arith.constant 0 : index
    tpu.barrier barrier_id(%barrier3A)
    %dma_start3A = arith.constant 0 : i32
    %dma_start3A_16 = arith.constant 0 : i32
    %dma_start3A_17 = arith.constant 0 : i32
    %dma_start3A_18 = arith.constant 0 : i32
    %dma_start3A_19 = tpu.memref_slice %arg9[%dma_start3A_16, %dma_start3A_17, %dma_start3A_18] : memref<3x80x128xf32, #tpu.memory_space<vmem>> -> memref<1x80x128xf32, #tpu.memory_space<vmem>>
    %dma_start3A_20 = tpu.memref_squeeze %dma_start3A_19 : memref<1x80x128xf32, #tpu.memory_space<vmem>> -> memref<80x128xf32, #tpu.memory_space<vmem>>
    %dma_start3A_21 = arith.constant 0 : i32
    %dma_start3A_22 = tpu.memref_slice %arg7[%dma_start3A, %dma_start3A_21] : memref<63x80xi32, #tpu.memory_space<vmem>> -> memref<1x80xi32, #tpu.memory_space<vmem>>
    %dma_start3A_23 = tpu.memref_squeeze %dma_start3A_22 : memref<1x80xi32, #tpu.memory_space<vmem>> -> memref<80xi32, #tpu.memory_space<vmem>>
    %dma_start3A_24 = arith.constant 0 : i32
    %dma_start3A_25 = arith.constant 0 : i32
    %dma_start3A_26 = tpu.memref_slice %arg2[%dma_start3A_24, %dma_start3A_25] : memref<160000x128xf32, #tpu.memory_space<hbm>> -> memref<160000x128xf32, #tpu.memory_space<hbm>>
    tpu.enqueue_indirect_dma source(%dma_start3A_26 : memref<160000x128xf32, #tpu.memory_space<hbm>>) target(%dma_start3A_20 : memref<80x128xf32, #tpu.memory_space<vmem>>) offsets(%dma_start3A_23 : memref<80xi32, #tpu.memory_space<vmem>>) semaphore(%arg12 : memref<!tpu.dma_semaphore, #tpu.memory_space<semaphore_mem>>)
    %dma_start3A_27 = arith.constant 1 : i32
    %dma_start3A_28 = arith.constant 1 : i32
    %dma_start3A_29 = arith.constant 0 : i32
    %dma_start3A_30 = arith.constant 0 : i32
    %dma_start3A_31 = tpu.memref_slice %arg9[%dma_start3A_28, %dma_start3A_29, %dma_start3A_30] : memref<3x80x128xf32, #tpu.memory_space<vmem>> -> memref<1x80x128xf32, #tpu.memory_space<vmem>>
    %dma_start3A_32 = tpu.memref_squeeze %dma_start3A_31 : memref<1x80x128xf32, #tpu.memory_space<vmem>> -> memref<80x128xf32, #tpu.memory_space<vmem>>
    %dma_start3A_33 = arith.constant 0 : i32
    %dma_start3A_34 = tpu.memref_slice %arg7[%dma_start3A_27, %dma_start3A_33] : memref<63x80xi32, #tpu.memory_space<vmem>> -> memref<1x80xi32, #tpu.memory_space<vmem>>
    %dma_start3A_35 = tpu.memref_squeeze %dma_start3A_34 : memref<1x80xi32, #tpu.memory_space<vmem>> -> memref<80xi32, #tpu.memory_space<vmem>>
    %dma_start3A_36 = arith.constant 0 : i32
    %dma_start3A_37 = arith.constant 0 : i32
    %dma_start3A_38 = tpu.memref_slice %arg2[%dma_start3A_36, %dma_start3A_37] : memref<160000x128xf32, #tpu.memory_space<hbm>> -> memref<160000x128xf32, #tpu.memory_space<hbm>>
    tpu.enqueue_indirect_dma source(%dma_start3A_38 : memref<160000x128xf32, #tpu.memory_space<hbm>>) target(%dma_start3A_32 : memref<80x128xf32, #tpu.memory_space<vmem>>) offsets(%dma_start3A_35 : memref<80xi32, #tpu.memory_space<vmem>>) semaphore(%arg13 : memref<!tpu.dma_semaphore, #tpu.memory_space<semaphore_mem>>)
    %scan3A_39 = arith.constant 0 : i32
    %scan3A_40 = arith.constant 0 : i32
    %scan3A_41 = arith.constant 63 : i32
    %scan3A_42 = arith.addi %scan3A_40, %scan3A_41 : i32
    %scan3A_43 = arith.constant 1 : i32
    scf.for %scan3A_115 = %scan3A_40 to %scan3A_42 step %scan3A_43  : i32 {
      %add3A_116 = arith.constant 2 : i32
      %add3A_117 = arith.addi %scan3A_115, %add3A_116 : i32
      %lt3A = arith.constant 63 : i32
      %lt3A_118 = arith.cmpi slt, %add3A_117, %lt3A : i32
      %jit3A = arith.constant 3 : i32
      %eq3A_119 = arith.constant 0 : i32
      %eq3A_120 = arith.cmpi eq, %jit3A, %eq3A_119 : i32
      %jit3A_121 = arith.constant 1 : i32
      %select_n3A = arith.select %eq3A_120, %jit3A_121, %jit3A : i32
      %rem3A = arith.remsi %add3A_117, %select_n3A : i32
      %ne3A = arith.constant 0 : i32
      %ne3A_122 = arith.cmpi ne, %rem3A, %ne3A : i32
      %lt3A_123 = arith.constant 0 : i32
      %lt3A_124 = arith.cmpi slt, %rem3A, %lt3A_123 : i32
      %lt3A_125 = arith.constant 0 : i32
      %lt3A_126 = arith.cmpi slt, %select_n3A, %lt3A_125 : i32
      %ne3A_127 = arith.xori %lt3A_124, %lt3A_126 : i1
      %and3A = arith.andi %ne3A_127, %ne3A_122 : i1
      %add3A_128 = arith.addi %rem3A, %select_n3A : i32
      %select_n3A_129 = arith.select %and3A, %add3A_128, %rem3A : i32
      %eq3A_130 = arith.constant 0 : i32
      %eq3A_131 = arith.cmpi eq, %select_n3A_129, %eq3A_130 : i32
      %and3A_132 = arith.andi %lt3A_118, %eq3A_131 : i1
      %convert_element_type3A_133 = arith.extui %and3A_132 : i1 to i32
      %cond3A_134 = arith.constant 0 : i32
      %cond3A_135 = arith.cmpi ne, %convert_element_type3A_133, %cond3A_134 : i32
      scf.if %cond3A_135 {
        %dma_start3A_247 = arith.constant 0 : i32
        %dma_start3A_248 = arith.constant 0 : i32
        %dma_start3A_249 = arith.constant 0 : i32
        %dma_start3A_250 = tpu.memref_slice %arg9[%dma_start3A_247, %dma_start3A_248, %dma_start3A_249] : memref<3x80x128xf32, #tpu.memory_space<vmem>> -> memref<1x80x128xf32, #tpu.memory_space<vmem>>
        %dma_start3A_251 = tpu.memref_squeeze %dma_start3A_250 : memref<1x80x128xf32, #tpu.memory_space<vmem>> -> memref<80x128xf32, #tpu.memory_space<vmem>>
        %dma_start3A_252 = arith.constant 0 : i32
        %dma_start3A_253 = tpu.memref_slice %arg7[%add3A_117, %dma_start3A_252] : memref<63x80xi32, #tpu.memory_space<vmem>> -> memref<1x80xi32, #tpu.memory_space<vmem>>
        %dma_start3A_254 = tpu.memref_squeeze %dma_start3A_253 : memref<1x80xi32, #tpu.memory_space<vmem>> -> memref<80xi32, #tpu.memory_space<vmem>>
        %dma_start3A_255 = arith.constant 0 : i32
        %dma_start3A_256 = arith.constant 0 : i32
        %dma_start3A_257 = tpu.memref_slice %arg2[%dma_start3A_255, %dma_start3A_256] : memref<160000x128xf32, #tpu.memory_space<hbm>> -> memref<160000x128xf32, #tpu.memory_space<hbm>>
        tpu.enqueue_indirect_dma source(%dma_start3A_257 : memref<160000x128xf32, #tpu.memory_space<hbm>>) target(%dma_start3A_251 : memref<80x128xf32, #tpu.memory_space<vmem>>) offsets(%dma_start3A_254 : memref<80xi32, #tpu.memory_space<vmem>>) semaphore(%arg12 : memref<!tpu.dma_semaphore, #tpu.memory_space<semaphore_mem>>)
      } else {
      }
      %lt3A_136 = arith.constant 63 : i32
      %lt3A_137 = arith.cmpi slt, %add3A_117, %lt3A_136 : i32
      %jit3A_138 = arith.constant 3 : i32
      %eq3A_139 = arith.constant 0 : i32
      %eq3A_140 = arith.cmpi eq, %jit3A_138, %eq3A_139 : i32
      %jit3A_141 = arith.constant 1 : i32
      %select_n3A_142 = arith.select %eq3A_140, %jit3A_141, %jit3A_138 : i32
      %rem3A_143 = arith.remsi %add3A_117, %select_n3A_142 : i32
      %ne3A_144 = arith.constant 0 : i32
      %ne3A_145 = arith.cmpi ne, %rem3A_143, %ne3A_144 : i32
      %lt3A_146 = arith.constant 0 : i32
      %lt3A_147 = arith.cmpi slt, %rem3A_143, %lt3A_146 : i32
      %lt3A_148 = arith.constant 0 : i32
      %lt3A_149 = arith.cmpi slt, %select_n3A_142, %lt3A_148 : i32
      %ne3A_150 = arith.xori %lt3A_147, %lt3A_149 : i1
      %and3A_151 = arith.andi %ne3A_150, %ne3A_145 : i1
      %add3A_152 = arith.addi %rem3A_143, %select_n3A_142 : i32
      %select_n3A_153 = arith.select %and3A_151, %add3A_152, %rem3A_143 : i32
      %eq3A_154 = arith.constant 1 : i32
      %eq3A_155 = arith.cmpi eq, %select_n3A_153, %eq3A_154 : i32
      %and3A_156 = arith.andi %lt3A_137, %eq3A_155 : i1
      %convert_element_type3A_157 = arith.extui %and3A_156 : i1 to i32
      %cond3A_158 = arith.constant 0 : i32
      %cond3A_159 = arith.cmpi ne, %convert_element_type3A_157, %cond3A_158 : i32
      scf.if %cond3A_159 {
        %dma_start3A_247 = arith.constant 1 : i32
        %dma_start3A_248 = arith.constant 0 : i32
        %dma_start3A_249 = arith.constant 0 : i32
        %dma_start3A_250 = tpu.memref_slice %arg9[%dma_start3A_247, %dma_start3A_248, %dma_start3A_249] : memref<3x80x128xf32, #tpu.memory_space<vmem>> -> memref<1x80x128xf32, #tpu.memory_space<vmem>>
        %dma_start3A_251 = tpu.memref_squeeze %dma_start3A_250 : memref<1x80x128xf32, #tpu.memory_space<vmem>> -> memref<80x128xf32, #tpu.memory_space<vmem>>
        %dma_start3A_252 = arith.constant 0 : i32
        %dma_start3A_253 = tpu.memref_slice %arg7[%add3A_117, %dma_start3A_252] : memref<63x80xi32, #tpu.memory_space<vmem>> -> memref<1x80xi32, #tpu.memory_space<vmem>>
        %dma_start3A_254 = tpu.memref_squeeze %dma_start3A_253 : memref<1x80xi32, #tpu.memory_space<vmem>> -> memref<80xi32, #tpu.memory_space<vmem>>
        %dma_start3A_255 = arith.constant 0 : i32
        %dma_start3A_256 = arith.constant 0 : i32
        %dma_start3A_257 = tpu.memref_slice %arg2[%dma_start3A_255, %dma_start3A_256] : memref<160000x128xf32, #tpu.memory_space<hbm>> -> memref<160000x128xf32, #tpu.memory_space<hbm>>
        tpu.enqueue_indirect_dma source(%dma_start3A_257 : memref<160000x128xf32, #tpu.memory_space<hbm>>) target(%dma_start3A_251 : memref<80x128xf32, #tpu.memory_space<vmem>>) offsets(%dma_start3A_254 : memref<80xi32, #tpu.memory_space<vmem>>) semaphore(%arg13 : memref<!tpu.dma_semaphore, #tpu.memory_space<semaphore_mem>>)
      } else {
      }
      %lt3A_160 = arith.constant 63 : i32
      %lt3A_161 = arith.cmpi slt, %add3A_117, %lt3A_160 : i32
      %jit3A_162 = arith.constant 3 : i32
      %eq3A_163 = arith.constant 0 : i32
      %eq3A_164 = arith.cmpi eq, %jit3A_162, %eq3A_163 : i32
      %jit3A_165 = arith.constant 1 : i32
      %select_n3A_166 = arith.select %eq3A_164, %jit3A_165, %jit3A_162 : i32
      %rem3A_167 = arith.remsi %add3A_117, %select_n3A_166 : i32
      %ne3A_168 = arith.constant 0 : i32
      %ne3A_169 = arith.cmpi ne, %rem3A_167, %ne3A_168 : i32
      %lt3A_170 = arith.constant 0 : i32
      %lt3A_171 = arith.cmpi slt, %rem3A_167, %lt3A_170 : i32
      %lt3A_172 = arith.constant 0 : i32
      %lt3A_173 = arith.cmpi slt, %select_n3A_166, %lt3A_172 : i32
      %ne3A_174 = arith.xori %lt3A_171, %lt3A_173 : i1
      %and3A_175 = arith.andi %ne3A_174, %ne3A_169 : i1
      %add3A_176 = arith.addi %rem3A_167, %select_n3A_166 : i32
      %select_n3A_177 = arith.select %and3A_175, %add3A_176, %rem3A_167 : i32
      %eq3A_178 = arith.constant 2 : i32
      %eq3A_179 = arith.cmpi eq, %select_n3A_177, %eq3A_178 : i32
      %and3A_180 = arith.andi %lt3A_161, %eq3A_179 : i1
      %convert_element_type3A_181 = arith.extui %and3A_180 : i1 to i32
      %cond3A_182 = arith.constant 0 : i32
      %cond3A_183 = arith.cmpi ne, %convert_element_type3A_181, %cond3A_182 : i32
      scf.if %cond3A_183 {
        %dma_start3A_247 = arith.constant 2 : i32
        %dma_start3A_248 = arith.constant 0 : i32
        %dma_start3A_249 = arith.constant 0 : i32
        %dma_start3A_250 = tpu.memref_slice %arg9[%dma_start3A_247, %dma_start3A_248, %dma_start3A_249] : memref<3x80x128xf32, #tpu.memory_space<vmem>> -> memref<1x80x128xf32, #tpu.memory_space<vmem>>
        %dma_start3A_251 = tpu.memref_squeeze %dma_start3A_250 : memref<1x80x128xf32, #tpu.memory_space<vmem>> -> memref<80x128xf32, #tpu.memory_space<vmem>>
        %dma_start3A_252 = arith.constant 0 : i32
        %dma_start3A_253 = tpu.memref_slice %arg7[%add3A_117, %dma_start3A_252] : memref<63x80xi32, #tpu.memory_space<vmem>> -> memref<1x80xi32, #tpu.memory_space<vmem>>
        %dma_start3A_254 = tpu.memref_squeeze %dma_start3A_253 : memref<1x80xi32, #tpu.memory_space<vmem>> -> memref<80xi32, #tpu.memory_space<vmem>>
        %dma_start3A_255 = arith.constant 0 : i32
        %dma_start3A_256 = arith.constant 0 : i32
        %dma_start3A_257 = tpu.memref_slice %arg2[%dma_start3A_255, %dma_start3A_256] : memref<160000x128xf32, #tpu.memory_space<hbm>> -> memref<160000x128xf32, #tpu.memory_space<hbm>>
        tpu.enqueue_indirect_dma source(%dma_start3A_257 : memref<160000x128xf32, #tpu.memory_space<hbm>>) target(%dma_start3A_251 : memref<80x128xf32, #tpu.memory_space<vmem>>) offsets(%dma_start3A_254 : memref<80xi32, #tpu.memory_space<vmem>>) semaphore(%arg14 : memref<!tpu.dma_semaphore, #tpu.memory_space<semaphore_mem>>)
      } else {
      }
      %jit3A_184 = arith.constant 3 : i32
      %eq3A_185 = arith.constant 0 : i32
      %eq3A_186 = arith.cmpi eq, %jit3A_184, %eq3A_185 : i32
      %jit3A_187 = arith.constant 1 : i32
      %select_n3A_188 = arith.select %eq3A_186, %jit3A_187, %jit3A_184 : i32
      %rem3A_189 = arith.remsi %scan3A_115, %select_n3A_188 : i32
      %ne3A_190 = arith.constant 0 : i32
      %ne3A_191 = arith.cmpi ne, %rem3A_189, %ne3A_190 : i32
      %lt3A_192 = arith.constant 0 : i32
      %lt3A_193 = arith.cmpi slt, %rem3A_189, %lt3A_192 : i32
      %lt3A_194 = arith.constant 0 : i32
      %lt3A_195 = arith.cmpi slt, %select_n3A_188, %lt3A_194 : i32
      %ne3A_196 = arith.xori %lt3A_193, %lt3A_195 : i1
      %and3A_197 = arith.andi %ne3A_196, %ne3A_191 : i1
      %add3A_198 = arith.addi %rem3A_189, %select_n3A_188 : i32
      %select_n3A_199 = arith.select %and3A_197, %add3A_198, %rem3A_189 : i32
      %eq3A_200 = arith.constant 0 : i32
      %eq3A_201 = arith.cmpi eq, %select_n3A_199, %eq3A_200 : i32
      %convert_element_type3A_202 = arith.extui %eq3A_201 : i1 to i32
      %cond3A_203 = arith.constant 0 : i32
      %cond3A_204 = arith.cmpi ne, %convert_element_type3A_202, %cond3A_203 : i32
      scf.if %cond3A_204 {
        %dma_wait3A = arith.constant 0 : i32
        %dma_wait3A_247 = arith.constant 0 : i32
        %dma_wait3A_248 = arith.constant 0 : i32
        %dma_wait3A_249 = tpu.memref_slice %arg9[%dma_wait3A, %dma_wait3A_247, %dma_wait3A_248] : memref<3x80x128xf32, #tpu.memory_space<vmem>> -> memref<1x80x128xf32, #tpu.memory_space<vmem>>
        %dma_wait3A_250 = tpu.memref_squeeze %dma_wait3A_249 : memref<1x80x128xf32, #tpu.memory_space<vmem>> -> memref<80x128xf32, #tpu.memory_space<vmem>>
        %dma_wait3A_251 = arith.constant 0 : i32
        %dma_wait3A_252 = arith.constant 0 : i32
        %dma_wait3A_253 = tpu.memref_slice %arg2[%dma_wait3A_251, %dma_wait3A_252] : memref<160000x128xf32, #tpu.memory_space<hbm>> -> memref<80x128xf32, #tpu.memory_space<hbm>>
        %dma_wait3A_254 = arith.constant 0 : i32
        %dma_wait3A_255 = arith.constant 0 : i32
        %dma_wait3A_256 = tpu.memref_slice %arg9[%dma_wait3A, %dma_wait3A_254, %dma_wait3A_255] : memref<3x80x128xf32, #tpu.memory_space<vmem>> -> memref<1x80x128xf32, #tpu.memory_space<vmem>>
        %dma_wait3A_257 = tpu.memref_squeeze %dma_wait3A_256 : memref<1x80x128xf32, #tpu.memory_space<vmem>> -> memref<80x128xf32, #tpu.memory_space<vmem>>
        %dma_wait3A_258 = arith.constant 0 : i32
        %dma_wait3A_259 = arith.constant 0 : i32
        %dma_wait3A_260 = tpu.memref_slice %arg2[%dma_wait3A_258, %dma_wait3A_259] : memref<160000x128xf32, #tpu.memory_space<hbm>> -> memref<80x128xf32, #tpu.memory_space<hbm>>
        tpu.wait_dma2 semaphore(%arg12 : memref<!tpu.dma_semaphore, #tpu.memory_space<semaphore_mem>>) src(%dma_wait3A_260 : memref<80x128xf32, #tpu.memory_space<hbm>>) dst(%dma_wait3A_257 : memref<80x128xf32, #tpu.memory_space<vmem>>)
        %run_scoped3A = arith.constant 0 : i32
        "tpu.region"() ({
          %run_scoped3A_261 = tpu.sem_alloc : memref<!tpu.dma_semaphore, #tpu.memory_space<semaphore_mem>>
          %dma_start3A_262 = arith.constant 0 : i32
          %dma_start3A_263 = arith.constant 0 : i32
          %dma_start3A_264 = tpu.memref_slice %arg9[%run_scoped3A, %dma_start3A_262, %dma_start3A_263] : memref<3x80x128xf32, #tpu.memory_space<vmem>> -> memref<1x80x128xf32, #tpu.memory_space<vmem>>
          %dma_start3A_265 = tpu.memref_squeeze %dma_start3A_264 : memref<1x80x128xf32, #tpu.memory_space<vmem>> -> memref<80x128xf32, #tpu.memory_space<vmem>>
          %dma_start3A_266 = arith.constant 0 : i32
          %dma_start3A_267 = tpu.memref_slice %arg8[%scan3A_115, %dma_start3A_266] : memref<63x80xi32, #tpu.memory_space<vmem>> -> memref<1x80xi32, #tpu.memory_space<vmem>>
          %dma_start3A_268 = tpu.memref_squeeze %dma_start3A_267 : memref<1x80xi32, #tpu.memory_space<vmem>> -> memref<80xi32, #tpu.memory_space<vmem>>
          %dma_start3A_269 = arith.constant 0 : i32
          %dma_start3A_270 = arith.constant 0 : i32
          %dma_start3A_271 = tpu.memref_slice %arg11[%dma_start3A_269, %dma_start3A_270] : memref<10008x128xf32, #tpu.memory_space<vmem_shared>> -> memref<10008x128xf32, #tpu.memory_space<vmem_shared>>
          tpu.enqueue_indirect_dma source(%dma_start3A_265 : memref<80x128xf32, #tpu.memory_space<vmem>>) target(%dma_start3A_271 : memref<10008x128xf32, #tpu.memory_space<vmem_shared>>) offsets(%dma_start3A_268 : memref<80xi32, #tpu.memory_space<vmem>>) semaphore(%run_scoped3A_261 : memref<!tpu.dma_semaphore, #tpu.memory_space<semaphore_mem>>) {add = true}
          %dma_wait3A_272 = arith.constant 0 : i32
          %dma_wait3A_273 = arith.constant 0 : i32
          %dma_wait3A_274 = tpu.memref_slice %arg9[%run_scoped3A, %dma_wait3A_272, %dma_wait3A_273] : memref<3x80x128xf32, #tpu.memory_space<vmem>> -> memref<1x80x128xf32, #tpu.memory_space<vmem>>
          %dma_wait3A_275 = tpu.memref_squeeze %dma_wait3A_274 : memref<1x80x128xf32, #tpu.memory_space<vmem>> -> memref<80x128xf32, #tpu.memory_space<vmem>>
          %dma_wait3A_276 = arith.constant 0 : i32
          %dma_wait3A_277 = tpu.memref_slice %arg8[%scan3A_115, %dma_wait3A_276] : memref<63x80xi32, #tpu.memory_space<vmem>> -> memref<1x80xi32, #tpu.memory_space<vmem>>
          %dma_wait3A_278 = tpu.memref_squeeze %dma_wait3A_277 : memref<1x80xi32, #tpu.memory_space<vmem>> -> memref<80xi32, #tpu.memory_space<vmem>>
          %dma_wait3A_279 = arith.constant 0 : i32
          %dma_wait3A_280 = arith.constant 0 : i32
          %dma_wait3A_281 = tpu.memref_slice %arg11[%dma_wait3A_279, %dma_wait3A_280] : memref<10008x128xf32, #tpu.memory_space<vmem_shared>> -> memref<10008x128xf32, #tpu.memory_space<vmem_shared>>
          tpu.wait_indirect_dma semaphore(%run_scoped3A_261 : memref<!tpu.dma_semaphore, #tpu.memory_space<semaphore_mem>>) src(%dma_wait3A_275 : memref<80x128xf32, #tpu.memory_space<vmem>>) dst(%dma_wait3A_281 : memref<10008x128xf32, #tpu.memory_space<vmem_shared>>)
          tpu.yield
        }) : () -> ()
      } else {
      }
      %jit3A_205 = arith.constant 3 : i32
      %eq3A_206 = arith.constant 0 : i32
      %eq3A_207 = arith.cmpi eq, %jit3A_205, %eq3A_206 : i32
      %jit3A_208 = arith.constant 1 : i32
      %select_n3A_209 = arith.select %eq3A_207, %jit3A_208, %jit3A_205 : i32
      %rem3A_210 = arith.remsi %scan3A_115, %select_n3A_209 : i32
      %ne3A_211 = arith.constant 0 : i32
      %ne3A_212 = arith.cmpi ne, %rem3A_210, %ne3A_211 : i32
      %lt3A_213 = arith.constant 0 : i32
      %lt3A_214 = arith.cmpi slt, %rem3A_210, %lt3A_213 : i32
      %lt3A_215 = arith.constant 0 : i32
      %lt3A_216 = arith.cmpi slt, %select_n3A_209, %lt3A_215 : i32
      %ne3A_217 = arith.xori %lt3A_214, %lt3A_216 : i1
      %and3A_218 = arith.andi %ne3A_217, %ne3A_212 : i1
      %add3A_219 = arith.addi %rem3A_210, %select_n3A_209 : i32
      %select_n3A_220 = arith.select %and3A_218, %add3A_219, %rem3A_210 : i32
      %eq3A_221 = arith.constant 1 : i32
      %eq3A_222 = arith.cmpi eq, %select_n3A_220, %eq3A_221 : i32
      %convert_element_type3A_223 = arith.extui %eq3A_222 : i1 to i32
      %cond3A_224 = arith.constant 0 : i32
      %cond3A_225 = arith.cmpi ne, %convert_element_type3A_223, %cond3A_224 : i32
      scf.if %cond3A_225 {
        %dma_wait3A = arith.constant 1 : i32
        %dma_wait3A_247 = arith.constant 0 : i32
        %dma_wait3A_248 = arith.constant 0 : i32
        %dma_wait3A_249 = tpu.memref_slice %arg9[%dma_wait3A, %dma_wait3A_247, %dma_wait3A_248] : memref<3x80x128xf32, #tpu.memory_space<vmem>> -> memref<1x80x128xf32, #tpu.memory_space<vmem>>
        %dma_wait3A_250 = tpu.memref_squeeze %dma_wait3A_249 : memref<1x80x128xf32, #tpu.memory_space<vmem>> -> memref<80x128xf32, #tpu.memory_space<vmem>>
        %dma_wait3A_251 = arith.constant 0 : i32
        %dma_wait3A_252 = arith.constant 0 : i32
        %dma_wait3A_253 = tpu.memref_slice %arg2[%dma_wait3A_251, %dma_wait3A_252] : memref<160000x128xf32, #tpu.memory_space<hbm>> -> memref<80x128xf32, #tpu.memory_space<hbm>>
        %dma_wait3A_254 = arith.constant 0 : i32
        %dma_wait3A_255 = arith.constant 0 : i32
        %dma_wait3A_256 = tpu.memref_slice %arg9[%dma_wait3A, %dma_wait3A_254, %dma_wait3A_255] : memref<3x80x128xf32, #tpu.memory_space<vmem>> -> memref<1x80x128xf32, #tpu.memory_space<vmem>>
        %dma_wait3A_257 = tpu.memref_squeeze %dma_wait3A_256 : memref<1x80x128xf32, #tpu.memory_space<vmem>> -> memref<80x128xf32, #tpu.memory_space<vmem>>
        %dma_wait3A_258 = arith.constant 0 : i32
        %dma_wait3A_259 = arith.constant 0 : i32
        %dma_wait3A_260 = tpu.memref_slice %arg2[%dma_wait3A_258, %dma_wait3A_259] : memref<160000x128xf32, #tpu.memory_space<hbm>> -> memref<80x128xf32, #tpu.memory_space<hbm>>
        tpu.wait_dma2 semaphore(%arg13 : memref<!tpu.dma_semaphore, #tpu.memory_space<semaphore_mem>>) src(%dma_wait3A_260 : memref<80x128xf32, #tpu.memory_space<hbm>>) dst(%dma_wait3A_257 : memref<80x128xf32, #tpu.memory_space<vmem>>)
        %run_scoped3A = arith.constant 1 : i32
        "tpu.region"() ({
          %run_scoped3A_261 = tpu.sem_alloc : memref<!tpu.dma_semaphore, #tpu.memory_space<semaphore_mem>>
          %dma_start3A_262 = arith.constant 0 : i32
          %dma_start3A_263 = arith.constant 0 : i32
          %dma_start3A_264 = tpu.memref_slice %arg9[%run_scoped3A, %dma_start3A_262, %dma_start3A_263] : memref<3x80x128xf32, #tpu.memory_space<vmem>> -> memref<1x80x128xf32, #tpu.memory_space<vmem>>
          %dma_start3A_265 = tpu.memref_squeeze %dma_start3A_264 : memref<1x80x128xf32, #tpu.memory_space<vmem>> -> memref<80x128xf32, #tpu.memory_space<vmem>>
          %dma_start3A_266 = arith.constant 0 : i32
          %dma_start3A_267 = tpu.memref_slice %arg8[%scan3A_115, %dma_start3A_266] : memref<63x80xi32, #tpu.memory_space<vmem>> -> memref<1x80xi32, #tpu.memory_space<vmem>>
          %dma_start3A_268 = tpu.memref_squeeze %dma_start3A_267 : memref<1x80xi32, #tpu.memory_space<vmem>> -> memref<80xi32, #tpu.memory_space<vmem>>
          %dma_start3A_269 = arith.constant 0 : i32
          %dma_start3A_270 = arith.constant 0 : i32
          %dma_start3A_271 = tpu.memref_slice %arg11[%dma_start3A_269, %dma_start3A_270] : memref<10008x128xf32, #tpu.memory_space<vmem_shared>> -> memref<10008x128xf32, #tpu.memory_space<vmem_shared>>
          tpu.enqueue_indirect_dma source(%dma_start3A_265 : memref<80x128xf32, #tpu.memory_space<vmem>>) target(%dma_start3A_271 : memref<10008x128xf32, #tpu.memory_space<vmem_shared>>) offsets(%dma_start3A_268 : memref<80xi32, #tpu.memory_space<vmem>>) semaphore(%run_scoped3A_261 : memref<!tpu.dma_semaphore, #tpu.memory_space<semaphore_mem>>) {add = true}
          %dma_wait3A_272 = arith.constant 0 : i32
          %dma_wait3A_273 = arith.constant 0 : i32
          %dma_wait3A_274 = tpu.memref_slice %arg9[%run_scoped3A, %dma_wait3A_272, %dma_wait3A_273] : memref<3x80x128xf32, #tpu.memory_space<vmem>> -> memref<1x80x128xf32, #tpu.memory_space<vmem>>
          %dma_wait3A_275 = tpu.memref_squeeze %dma_wait3A_274 : memref<1x80x128xf32, #tpu.memory_space<vmem>> -> memref<80x128xf32, #tpu.memory_space<vmem>>
          %dma_wait3A_276 = arith.constant 0 : i32
          %dma_wait3A_277 = tpu.memref_slice %arg8[%scan3A_115, %dma_wait3A_276] : memref<63x80xi32, #tpu.memory_space<vmem>> -> memref<1x80xi32, #tpu.memory_space<vmem>>
          %dma_wait3A_278 = tpu.memref_squeeze %dma_wait3A_277 : memref<1x80xi32, #tpu.memory_space<vmem>> -> memref<80xi32, #tpu.memory_space<vmem>>
          %dma_wait3A_279 = arith.constant 0 : i32
          %dma_wait3A_280 = arith.constant 0 : i32
          %dma_wait3A_281 = tpu.memref_slice %arg11[%dma_wait3A_279, %dma_wait3A_280] : memref<10008x128xf32, #tpu.memory_space<vmem_shared>> -> memref<10008x128xf32, #tpu.memory_space<vmem_shared>>
          tpu.wait_indirect_dma semaphore(%run_scoped3A_261 : memref<!tpu.dma_semaphore, #tpu.memory_space<semaphore_mem>>) src(%dma_wait3A_275 : memref<80x128xf32, #tpu.memory_space<vmem>>) dst(%dma_wait3A_281 : memref<10008x128xf32, #tpu.memory_space<vmem_shared>>)
          tpu.yield
        }) : () -> ()
      } else {
      }
      %jit3A_226 = arith.constant 3 : i32
      %eq3A_227 = arith.constant 0 : i32
      %eq3A_228 = arith.cmpi eq, %jit3A_226, %eq3A_227 : i32
      %jit3A_229 = arith.constant 1 : i32
      %select_n3A_230 = arith.select %eq3A_228, %jit3A_229, %jit3A_226 : i32
      %rem3A_231 = arith.remsi %scan3A_115, %select_n3A_230 : i32
      %ne3A_232 = arith.constant 0 : i32
      %ne3A_233 = arith.cmpi ne, %rem3A_231, %ne3A_232 : i32
      %lt3A_234 = arith.constant 0 : i32
      %lt3A_235 = arith.cmpi slt, %rem3A_231, %lt3A_234 : i32
      %lt3A_236 = arith.constant 0 : i32
      %lt3A_237 = arith.cmpi slt, %select_n3A_230, %lt3A_236 : i32
      %ne3A_238 = arith.xori %lt3A_235, %lt3A_237 : i1
      %and3A_239 = arith.andi %ne3A_238, %ne3A_233 : i1
      %add3A_240 = arith.addi %rem3A_231, %select_n3A_230 : i32
      %select_n3A_241 = arith.select %and3A_239, %add3A_240, %rem3A_231 : i32
      %eq3A_242 = arith.constant 2 : i32
      %eq3A_243 = arith.cmpi eq, %select_n3A_241, %eq3A_242 : i32
      %convert_element_type3A_244 = arith.extui %eq3A_243 : i1 to i32
      %cond3A_245 = arith.constant 0 : i32
      %cond3A_246 = arith.cmpi ne, %convert_element_type3A_244, %cond3A_245 : i32
      scf.if %cond3A_246 {
        %dma_wait3A = arith.constant 2 : i32
        %dma_wait3A_247 = arith.constant 0 : i32
        %dma_wait3A_248 = arith.constant 0 : i32
        %dma_wait3A_249 = tpu.memref_slice %arg9[%dma_wait3A, %dma_wait3A_247, %dma_wait3A_248] : memref<3x80x128xf32, #tpu.memory_space<vmem>> -> memref<1x80x128xf32, #tpu.memory_space<vmem>>
        %dma_wait3A_250 = tpu.memref_squeeze %dma_wait3A_249 : memref<1x80x128xf32, #tpu.memory_space<vmem>> -> memref<80x128xf32, #tpu.memory_space<vmem>>
        %dma_wait3A_251 = arith.constant 0 : i32
        %dma_wait3A_252 = arith.constant 0 : i32
        %dma_wait3A_253 = tpu.memref_slice %arg2[%dma_wait3A_251, %dma_wait3A_252] : memref<160000x128xf32, #tpu.memory_space<hbm>> -> memref<80x128xf32, #tpu.memory_space<hbm>>
        %dma_wait3A_254 = arith.constant 0 : i32
        %dma_wait3A_255 = arith.constant 0 : i32
        %dma_wait3A_256 = tpu.memref_slice %arg9[%dma_wait3A, %dma_wait3A_254, %dma_wait3A_255] : memref<3x80x128xf32, #tpu.memory_space<vmem>> -> memref<1x80x128xf32, #tpu.memory_space<vmem>>
        %dma_wait3A_257 = tpu.memref_squeeze %dma_wait3A_256 : memref<1x80x128xf32, #tpu.memory_space<vmem>> -> memref<80x128xf32, #tpu.memory_space<vmem>>
        %dma_wait3A_258 = arith.constant 0 : i32
        %dma_wait3A_259 = arith.constant 0 : i32
        %dma_wait3A_260 = tpu.memref_slice %arg2[%dma_wait3A_258, %dma_wait3A_259] : memref<160000x128xf32, #tpu.memory_space<hbm>> -> memref<80x128xf32, #tpu.memory_space<hbm>>
        tpu.wait_dma2 semaphore(%arg14 : memref<!tpu.dma_semaphore, #tpu.memory_space<semaphore_mem>>) src(%dma_wait3A_260 : memref<80x128xf32, #tpu.memory_space<hbm>>) dst(%dma_wait3A_257 : memref<80x128xf32, #tpu.memory_space<vmem>>)
        %run_scoped3A = arith.constant 2 : i32
        "tpu.region"() ({
          %run_scoped3A_261 = tpu.sem_alloc : memref<!tpu.dma_semaphore, #tpu.memory_space<semaphore_mem>>
          %dma_start3A_262 = arith.constant 0 : i32
          %dma_start3A_263 = arith.constant 0 : i32
          %dma_start3A_264 = tpu.memref_slice %arg9[%run_scoped3A, %dma_start3A_262, %dma_start3A_263] : memref<3x80x128xf32, #tpu.memory_space<vmem>> -> memref<1x80x128xf32, #tpu.memory_space<vmem>>
          %dma_start3A_265 = tpu.memref_squeeze %dma_start3A_264 : memref<1x80x128xf32, #tpu.memory_space<vmem>> -> memref<80x128xf32, #tpu.memory_space<vmem>>
          %dma_start3A_266 = arith.constant 0 : i32
          %dma_start3A_267 = tpu.memref_slice %arg8[%scan3A_115, %dma_start3A_266] : memref<63x80xi32, #tpu.memory_space<vmem>> -> memref<1x80xi32, #tpu.memory_space<vmem>>
          %dma_start3A_268 = tpu.memref_squeeze %dma_start3A_267 : memref<1x80xi32, #tpu.memory_space<vmem>> -> memref<80xi32, #tpu.memory_space<vmem>>
          %dma_start3A_269 = arith.constant 0 : i32
          %dma_start3A_270 = arith.constant 0 : i32
          %dma_start3A_271 = tpu.memref_slice %arg11[%dma_start3A_269, %dma_start3A_270] : memref<10008x128xf32, #tpu.memory_space<vmem_shared>> -> memref<10008x128xf32, #tpu.memory_space<vmem_shared>>
          tpu.enqueue_indirect_dma source(%dma_start3A_265 : memref<80x128xf32, #tpu.memory_space<vmem>>) target(%dma_start3A_271 : memref<10008x128xf32, #tpu.memory_space<vmem_shared>>) offsets(%dma_start3A_268 : memref<80xi32, #tpu.memory_space<vmem>>) semaphore(%run_scoped3A_261 : memref<!tpu.dma_semaphore, #tpu.memory_space<semaphore_mem>>) {add = true}
          %dma_wait3A_272 = arith.constant 0 : i32
          %dma_wait3A_273 = arith.constant 0 : i32
          %dma_wait3A_274 = tpu.memref_slice %arg9[%run_scoped3A, %dma_wait3A_272, %dma_wait3A_273] : memref<3x80x128xf32, #tpu.memory_space<vmem>> -> memref<1x80x128xf32, #tpu.memory_space<vmem>>
          %dma_wait3A_275 = tpu.memref_squeeze %dma_wait3A_274 : memref<1x80x128xf32, #tpu.memory_space<vmem>> -> memref<80x128xf32, #tpu.memory_space<vmem>>
          %dma_wait3A_276 = arith.constant 0 : i32
          %dma_wait3A_277 = tpu.memref_slice %arg8[%scan3A_115, %dma_wait3A_276] : memref<63x80xi32, #tpu.memory_space<vmem>> -> memref<1x80xi32, #tpu.memory_space<vmem>>
          %dma_wait3A_278 = tpu.memref_squeeze %dma_wait3A_277 : memref<1x80xi32, #tpu.memory_space<vmem>> -> memref<80xi32, #tpu.memory_space<vmem>>
          %dma_wait3A_279 = arith.constant 0 : i32
          %dma_wait3A_280 = arith.constant 0 : i32
          %dma_wait3A_281 = tpu.memref_slice %arg11[%dma_wait3A_279, %dma_wait3A_280] : memref<10008x128xf32, #tpu.memory_space<vmem_shared>> -> memref<10008x128xf32, #tpu.memory_space<vmem_shared>>
          tpu.wait_indirect_dma semaphore(%run_scoped3A_261 : memref<!tpu.dma_semaphore, #tpu.memory_space<semaphore_mem>>) src(%dma_wait3A_275 : memref<80x128xf32, #tpu.memory_space<vmem>>) dst(%dma_wait3A_281 : memref<10008x128xf32, #tpu.memory_space<vmem_shared>>)
          tpu.yield
        }) : () -> ()
      } else {
      }
    }
    %scan3A_44 = arith.constant 63 : i32
    %barrier3A_45 = arith.constant 0 : index
    tpu.barrier barrier_id(%barrier3A_45)
    %mul3A_46 = arith.constant 2 : i32
    %mul3A_47 = arith.muli %arg0, %mul3A_46 : i32
    %add3A_48 = arith.constant 0 : i32
    %add3A_49 = arith.addi %mul3A_47, %add3A_48 : i32
    %mul3A_50 = arith.constant 10000 : i32
    %mul3A_51 = arith.muli %add3A_49, %mul3A_50 : i32
    %add3A_52 = arith.addi %mul3A_51, %mul3A_7 : i32
    "tpu.region"() ({
      %run_scoped3A = tpu.sem_alloc : memref<!tpu.dma_semaphore, #tpu.memory_space<semaphore_mem>>
      %dma_start3A_115 = arith.constant 0 : i32
      %dma_start3A_116 = tpu.memref_slice %arg6[%add3A_52, %dma_start3A_115] : memref<40000x128xf32, #tpu.memory_space<hbm>> -> memref<624x128xf32, #tpu.memory_space<hbm>>
      %dma_start3A_117 = arith.constant 0 : i32
      %dma_start3A_118 = tpu.memref_slice %arg11[%mul3A_7, %dma_start3A_117] : memref<10008x128xf32, #tpu.memory_space<vmem_shared>> -> memref<624x128xf32, #tpu.memory_space<vmem_shared>>
      tpu.enqueue_dma source(%dma_start3A_118 : memref<624x128xf32, #tpu.memory_space<vmem_shared>>) target(%dma_start3A_116 : memref<624x128xf32, #tpu.memory_space<hbm>>) target_semaphore(%run_scoped3A : memref<!tpu.dma_semaphore, #tpu.memory_space<semaphore_mem>>)
      %dma_wait3A = arith.constant 0 : i32
      %dma_wait3A_119 = tpu.memref_slice %arg6[%add3A_52, %dma_wait3A] : memref<40000x128xf32, #tpu.memory_space<hbm>> -> memref<624x128xf32, #tpu.memory_space<hbm>>
      %dma_wait3A_120 = arith.constant 0 : i32
      %dma_wait3A_121 = tpu.memref_slice %arg11[%mul3A_7, %dma_wait3A_120] : memref<10008x128xf32, #tpu.memory_space<vmem_shared>> -> memref<624x128xf32, #tpu.memory_space<vmem_shared>>
      tpu.wait_dma2 semaphore(%run_scoped3A : memref<!tpu.dma_semaphore, #tpu.memory_space<semaphore_mem>>) src(%dma_wait3A_121 : memref<624x128xf32, #tpu.memory_space<vmem_shared>>) dst(%dma_wait3A_119 : memref<624x128xf32, #tpu.memory_space<hbm>>)
      tpu.yield
    }) : () -> ()
    %eq3A_53 = arith.constant 15 : i32
    %eq3A_54 = arith.cmpi eq, %arg1, %eq3A_53 : i32
    %convert_element_type3A_55 = arith.extui %eq3A_54 : i1 to i32
    %cond3A_56 = arith.constant 0 : i32
    %cond3A_57 = arith.cmpi ne, %convert_element_type3A_55, %cond3A_56 : i32
    scf.if %cond3A_57 {
      %add3A_115 = arith.constant 9984 : i32
      %add3A_116 = arith.addi %mul3A_51, %add3A_115 : i32
      "tpu.region"() ({
        %run_scoped3A = tpu.sem_alloc : memref<!tpu.dma_semaphore, #tpu.memory_space<semaphore_mem>>
        %dma_start3A_117 = arith.constant 0 : i32
        %dma_start3A_118 = tpu.memref_slice %arg6[%add3A_116, %dma_start3A_117] : memref<40000x128xf32, #tpu.memory_space<hbm>> -> memref<16x128xf32, #tpu.memory_space<hbm>>
        %dma_start3A_119 = arith.constant 9984 : i32
        %dma_start3A_120 = arith.constant 0 : i32
        %dma_start3A_121 = tpu.memref_slice %arg11[%dma_start3A_119, %dma_start3A_120] : memref<10008x128xf32, #tpu.memory_space<vmem_shared>> -> memref<16x128xf32, #tpu.memory_space<vmem_shared>>
        tpu.enqueue_dma source(%dma_start3A_121 : memref<16x128xf32, #tpu.memory_space<vmem_shared>>) target(%dma_start3A_118 : memref<16x128xf32, #tpu.memory_space<hbm>>) target_semaphore(%run_scoped3A : memref<!tpu.dma_semaphore, #tpu.memory_space<semaphore_mem>>)
        %dma_wait3A = arith.constant 0 : i32
        %dma_wait3A_122 = tpu.memref_slice %arg6[%add3A_116, %dma_wait3A] : memref<40000x128xf32, #tpu.memory_space<hbm>> -> memref<16x128xf32, #tpu.memory_space<hbm>>
        %dma_wait3A_123 = arith.constant 9984 : i32
        %dma_wait3A_124 = arith.constant 0 : i32
        %dma_wait3A_125 = tpu.memref_slice %arg11[%dma_wait3A_123, %dma_wait3A_124] : memref<10008x128xf32, #tpu.memory_space<vmem_shared>> -> memref<16x128xf32, #tpu.memory_space<vmem_shared>>
        tpu.wait_dma2 semaphore(%run_scoped3A : memref<!tpu.dma_semaphore, #tpu.memory_space<semaphore_mem>>) src(%dma_wait3A_125 : memref<16x128xf32, #tpu.memory_space<vmem_shared>>) dst(%dma_wait3A_122 : memref<16x128xf32, #tpu.memory_space<hbm>>)
        tpu.yield
      }) : () -> ()
    } else {
    }
    %barrier3A_58 = arith.constant 0 : index
    tpu.barrier barrier_id(%barrier3A_58)
    %scan3A_59 = arith.constant 0 : i32
    %scan3A_60 = arith.constant 0 : i32
    %scan3A_61 = arith.constant 39 : i32
    %scan3A_62 = arith.addi %scan3A_60, %scan3A_61 : i32
    %scan3A_63 = arith.constant 1 : i32
    scf.for %scan3A_115 = %scan3A_60 to %scan3A_62 step %scan3A_63  : i32 {
      %mul3A_116 = arith.constant 16 : i32
      %mul3A_117 = arith.muli %scan3A_115, %mul3A_116 : i32
      %add3A_118 = arith.addi %mul3A_7, %mul3A_117 : i32
      "tpu.region"() ({
        %run_scoped3A = tpu.sem_alloc : memref<!tpu.dma_semaphore, #tpu.memory_space<semaphore_mem>>
        %dma_start3A_119 = arith.constant 0 : i32
        %dma_start3A_120 = tpu.memref_slice %arg11[%add3A_118, %dma_start3A_119] : memref<10008x128xf32, #tpu.memory_space<vmem_shared>> -> memref<16x128xf32, #tpu.memory_space<vmem_shared>>
        %dma_start3A_121 = arith.constant 0 : i32
        %dma_start3A_122 = tpu.memref_slice %arg11[%add3A_118, %dma_start3A_121] : memref<10008x128xf32, #tpu.memory_space<vmem_shared>> -> memref<16x128xf32, #tpu.memory_space<vmem_shared>>
        tpu.enqueue_dma source(%arg10 : memref<16x128xf32, #tpu.memory_space<vmem>>) target(%dma_start3A_122 : memref<16x128xf32, #tpu.memory_space<vmem_shared>>) target_semaphore(%run_scoped3A : memref<!tpu.dma_semaphore, #tpu.memory_space<semaphore_mem>>)
        %dma_wait3A = arith.constant 0 : i32
        %dma_wait3A_123 = tpu.memref_slice %arg11[%add3A_118, %dma_wait3A] : memref<10008x128xf32, #tpu.memory_space<vmem_shared>> -> memref<16x128xf32, #tpu.memory_space<vmem_shared>>
        %dma_wait3A_124 = arith.constant 0 : i32
        %dma_wait3A_125 = tpu.memref_slice %arg11[%add3A_118, %dma_wait3A_124] : memref<10008x128xf32, #tpu.memory_space<vmem_shared>> -> memref<16x128xf32, #tpu.memory_space<vmem_shared>>
        tpu.wait_dma2 semaphore(%run_scoped3A : memref<!tpu.dma_semaphore, #tpu.memory_space<semaphore_mem>>) src(%arg10 : memref<16x128xf32, #tpu.memory_space<vmem>>) dst(%dma_wait3A_125 : memref<16x128xf32, #tpu.memory_space<vmem_shared>>)
        tpu.yield
      }) : () -> ()
    }
    %scan3A_64 = arith.constant 39 : i32
    %eq3A_65 = arith.constant 15 : i32
    %eq3A_66 = arith.cmpi eq, %arg1, %eq3A_65 : i32
    %convert_element_type3A_67 = arith.extui %eq3A_66 : i1 to i32
    %cond3A_68 = arith.constant 0 : i32
    %cond3A_69 = arith.cmpi ne, %convert_element_type3A_67, %cond3A_68 : i32
    scf.if %cond3A_69 {
      "tpu.region"() ({
        %run_scoped3A = tpu.sem_alloc : memref<!tpu.dma_semaphore, #tpu.memory_space<semaphore_mem>>
        %dma_start3A_115 = arith.constant 9984 : i32
        %dma_start3A_116 = arith.constant 0 : i32
        %dma_start3A_117 = tpu.memref_slice %arg11[%dma_start3A_115, %dma_start3A_116] : memref<10008x128xf32, #tpu.memory_space<vmem_shared>> -> memref<16x128xf32, #tpu.memory_space<vmem_shared>>
        %dma_start3A_118 = arith.constant 9984 : i32
        %dma_start3A_119 = arith.constant 0 : i32
        %dma_start3A_120 = tpu.memref_slice %arg11[%dma_start3A_118, %dma_start3A_119] : memref<10008x128xf32, #tpu.memory_space<vmem_shared>> -> memref<16x128xf32, #tpu.memory_space<vmem_shared>>
        tpu.enqueue_dma source(%arg10 : memref<16x128xf32, #tpu.memory_space<vmem>>) target(%dma_start3A_120 : memref<16x128xf32, #tpu.memory_space<vmem_shared>>) target_semaphore(%run_scoped3A : memref<!tpu.dma_semaphore, #tpu.memory_space<semaphore_mem>>)
        %dma_wait3A = arith.constant 9984 : i32
        %dma_wait3A_121 = arith.constant 0 : i32
        %dma_wait3A_122 = tpu.memref_slice %arg11[%dma_wait3A, %dma_wait3A_121] : memref<10008x128xf32, #tpu.memory_space<vmem_shared>> -> memref<16x128xf32, #tpu.memory_space<vmem_shared>>
        %dma_wait3A_123 = arith.constant 9984 : i32
        %dma_wait3A_124 = arith.constant 0 : i32
        %dma_wait3A_125 = tpu.memref_slice %arg11[%dma_wait3A_123, %dma_wait3A_124] : memref<10008x128xf32, #tpu.memory_space<vmem_shared>> -> memref<16x128xf32, #tpu.memory_space<vmem_shared>>
        tpu.wait_dma2 semaphore(%run_scoped3A : memref<!tpu.dma_semaphore, #tpu.memory_space<semaphore_mem>>) src(%arg10 : memref<16x128xf32, #tpu.memory_space<vmem>>) dst(%dma_wait3A_125 : memref<16x128xf32, #tpu.memory_space<vmem_shared>>)
        tpu.yield
      }) : () -> ()
      "tpu.region"() ({
        %run_scoped3A = tpu.sem_alloc : memref<!tpu.dma_semaphore, #tpu.memory_space<semaphore_mem>>
        %dma_start3A_115 = arith.constant 0 : i32
        %dma_start3A_116 = arith.constant 0 : i32
        %dma_start3A_117 = tpu.memref_slice %arg10[%dma_start3A_115, %dma_start3A_116] : memref<16x128xf32, #tpu.memory_space<vmem>> -> memref<8x128xf32, #tpu.memory_space<vmem>>
        %dma_start3A_118 = arith.constant 10000 : i32
        %dma_start3A_119 = arith.constant 0 : i32
        %dma_start3A_120 = tpu.memref_slice %arg11[%dma_start3A_118, %dma_start3A_119] : memref<10008x128xf32, #tpu.memory_space<vmem_shared>> -> memref<8x128xf32, #tpu.memory_space<vmem_shared>>
        %dma_start3A_121 = arith.constant 10000 : i32
        %dma_start3A_122 = arith.constant 0 : i32
        %dma_start3A_123 = tpu.memref_slice %arg11[%dma_start3A_121, %dma_start3A_122] : memref<10008x128xf32, #tpu.memory_space<vmem_shared>> -> memref<8x128xf32, #tpu.memory_space<vmem_shared>>
        %dma_start3A_124 = arith.constant 0 : i32
        %dma_start3A_125 = arith.constant 0 : i32
        %dma_start3A_126 = tpu.memref_slice %arg10[%dma_start3A_124, %dma_start3A_125] : memref<16x128xf32, #tpu.memory_space<vmem>> -> memref<8x128xf32, #tpu.memory_space<vmem>>
        tpu.enqueue_dma source(%dma_start3A_126 : memref<8x128xf32, #tpu.memory_space<vmem>>) target(%dma_start3A_123 : memref<8x128xf32, #tpu.memory_space<vmem_shared>>) target_semaphore(%run_scoped3A : memref<!tpu.dma_semaphore, #tpu.memory_space<semaphore_mem>>)
        %dma_wait3A = arith.constant 0 : i32
        %dma_wait3A_127 = arith.constant 0 : i32
        %dma_wait3A_128 = tpu.memref_slice %arg10[%dma_wait3A, %dma_wait3A_127] : memref<16x128xf32, #tpu.memory_space<vmem>> -> memref<8x128xf32, #tpu.memory_space<vmem>>
        %dma_wait3A_129 = arith.constant 10000 : i32
        %dma_wait3A_130 = arith.constant 0 : i32
        %dma_wait3A_131 = tpu.memref_slice %arg11[%dma_wait3A_129, %dma_wait3A_130] : memref<10008x128xf32, #tpu.memory_space<vmem_shared>> -> memref<8x128xf32, #tpu.memory_space<vmem_shared>>
        %dma_wait3A_132 = arith.constant 10000 : i32
        %dma_wait3A_133 = arith.constant 0 : i32
        %dma_wait3A_134 = tpu.memref_slice %arg11[%dma_wait3A_132, %dma_wait3A_133] : memref<10008x128xf32, #tpu.memory_space<vmem_shared>> -> memref<8x128xf32, #tpu.memory_space<vmem_shared>>
        %dma_wait3A_135 = arith.constant 0 : i32
        %dma_wait3A_136 = arith.constant 0 : i32
        %dma_wait3A_137 = tpu.memref_slice %arg10[%dma_wait3A_135, %dma_wait3A_136] : memref<16x128xf32, #tpu.memory_space<vmem>> -> memref<8x128xf32, #tpu.memory_space<vmem>>
        tpu.wait_dma2 semaphore(%run_scoped3A : memref<!tpu.dma_semaphore, #tpu.memory_space<semaphore_mem>>) src(%dma_wait3A_137 : memref<8x128xf32, #tpu.memory_space<vmem>>) dst(%dma_wait3A_134 : memref<8x128xf32, #tpu.memory_space<vmem_shared>>)
        tpu.yield
      }) : () -> ()
    } else {
    }
    %barrier3A_70 = arith.constant 0 : index
    tpu.barrier barrier_id(%barrier3A_70)
    %dma_start3A_71 = arith.constant 0 : i32
    %dma_start3A_72 = arith.constant 0 : i32
    %dma_start3A_73 = arith.constant 0 : i32
    %dma_start3A_74 = arith.constant 0 : i32
    %dma_start3A_75 = tpu.memref_slice %arg9[%dma_start3A_72, %dma_start3A_73, %dma_start3A_74] : memref<3x80x128xf32, #tpu.memory_space<vmem>> -> memref<1x80x128xf32, #tpu.memory_space<vmem>>
    %dma_start3A_76 = tpu.memref_squeeze %dma_start3A_75 : memref<1x80x128xf32, #tpu.memory_space<vmem>> -> memref<80x128xf32, #tpu.memory_space<vmem>>
    %dma_start3A_77 = arith.constant 0 : i32
    %dma_start3A_78 = tpu.memref_slice %arg7[%dma_start3A_71, %dma_start3A_77] : memref<63x80xi32, #tpu.memory_space<vmem>> -> memref<1x80xi32, #tpu.memory_space<vmem>>
    %dma_start3A_79 = tpu.memref_squeeze %dma_start3A_78 : memref<1x80xi32, #tpu.memory_space<vmem>> -> memref<80xi32, #tpu.memory_space<vmem>>
    %dma_start3A_80 = arith.constant 0 : i32
    %dma_start3A_81 = arith.constant 0 : i32
    %dma_start3A_82 = tpu.memref_slice %arg3[%dma_start3A_80, %dma_start3A_81] : memref<160000x128xf32, #tpu.memory_space<hbm>> -> memref<160000x128xf32, #tpu.memory_space<hbm>>
    tpu.enqueue_indirect_dma source(%dma_start3A_82 : memref<160000x128xf32, #tpu.memory_space<hbm>>) target(%dma_start3A_76 : memref<80x128xf32, #tpu.memory_space<vmem>>) offsets(%dma_start3A_79 : memref<80xi32, #tpu.memory_space<vmem>>) semaphore(%arg12 : memref<!tpu.dma_semaphore, #tpu.memory_space<semaphore_mem>>)
    %dma_start3A_83 = arith.constant 1 : i32
    %dma_start3A_84 = arith.constant 1 : i32
    %dma_start3A_85 = arith.constant 0 : i32
    %dma_start3A_86 = arith.constant 0 : i32
    %dma_start3A_87 = tpu.memref_slice %arg9[%dma_start3A_84, %dma_start3A_85, %dma_start3A_86] : memref<3x80x128xf32, #tpu.memory_space<vmem>> -> memref<1x80x128xf32, #tpu.memory_space<vmem>>
    %dma_start3A_88 = tpu.memref_squeeze %dma_start3A_87 : memref<1x80x128xf32, #tpu.memory_space<vmem>> -> memref<80x128xf32, #tpu.memory_space<vmem>>
    %dma_start3A_89 = arith.constant 0 : i32
    %dma_start3A_90 = tpu.memref_slice %arg7[%dma_start3A_83, %dma_start3A_89] : memref<63x80xi32, #tpu.memory_space<vmem>> -> memref<1x80xi32, #tpu.memory_space<vmem>>
    %dma_start3A_91 = tpu.memref_squeeze %dma_start3A_90 : memref<1x80xi32, #tpu.memory_space<vmem>> -> memref<80xi32, #tpu.memory_space<vmem>>
    %dma_start3A_92 = arith.constant 0 : i32
    %dma_start3A_93 = arith.constant 0 : i32
    %dma_start3A_94 = tpu.memref_slice %arg3[%dma_start3A_92, %dma_start3A_93] : memref<160000x128xf32, #tpu.memory_space<hbm>> -> memref<160000x128xf32, #tpu.memory_space<hbm>>
    tpu.enqueue_indirect_dma source(%dma_start3A_94 : memref<160000x128xf32, #tpu.memory_space<hbm>>) target(%dma_start3A_88 : memref<80x128xf32, #tpu.memory_space<vmem>>) offsets(%dma_start3A_91 : memref<80xi32, #tpu.memory_space<vmem>>) semaphore(%arg13 : memref<!tpu.dma_semaphore, #tpu.memory_space<semaphore_mem>>)
    %scan3A_95 = arith.constant 0 : i32
    %scan3A_96 = arith.constant 0 : i32
    %scan3A_97 = arith.constant 63 : i32
    %scan3A_98 = arith.addi %scan3A_96, %scan3A_97 : i32
    %scan3A_99 = arith.constant 1 : i32
    scf.for %scan3A_115 = %scan3A_96 to %scan3A_98 step %scan3A_99  : i32 {
      %add3A_116 = arith.constant 2 : i32
      %add3A_117 = arith.addi %scan3A_115, %add3A_116 : i32
      %lt3A = arith.constant 63 : i32
      %lt3A_118 = arith.cmpi slt, %add3A_117, %lt3A : i32
      %jit3A = arith.constant 3 : i32
      %eq3A_119 = arith.constant 0 : i32
      %eq3A_120 = arith.cmpi eq, %jit3A, %eq3A_119 : i32
      %jit3A_121 = arith.constant 1 : i32
      %select_n3A = arith.select %eq3A_120, %jit3A_121, %jit3A : i32
      %rem3A = arith.remsi %add3A_117, %select_n3A : i32
      %ne3A = arith.constant 0 : i32
      %ne3A_122 = arith.cmpi ne, %rem3A, %ne3A : i32
      %lt3A_123 = arith.constant 0 : i32
      %lt3A_124 = arith.cmpi slt, %rem3A, %lt3A_123 : i32
      %lt3A_125 = arith.constant 0 : i32
      %lt3A_126 = arith.cmpi slt, %select_n3A, %lt3A_125 : i32
      %ne3A_127 = arith.xori %lt3A_124, %lt3A_126 : i1
      %and3A = arith.andi %ne3A_127, %ne3A_122 : i1
      %add3A_128 = arith.addi %rem3A, %select_n3A : i32
      %select_n3A_129 = arith.select %and3A, %add3A_128, %rem3A : i32
      %eq3A_130 = arith.constant 0 : i32
      %eq3A_131 = arith.cmpi eq, %select_n3A_129, %eq3A_130 : i32
      %and3A_132 = arith.andi %lt3A_118, %eq3A_131 : i1
      %convert_element_type3A_133 = arith.extui %and3A_132 : i1 to i32
      %cond3A_134 = arith.constant 0 : i32
      %cond3A_135 = arith.cmpi ne, %convert_element_type3A_133, %cond3A_134 : i32
      scf.if %cond3A_135 {
        %dma_start3A_247 = arith.constant 0 : i32
        %dma_start3A_248 = arith.constant 0 : i32
        %dma_start3A_249 = arith.constant 0 : i32
        %dma_start3A_250 = tpu.memref_slice %arg9[%dma_start3A_247, %dma_start3A_248, %dma_start3A_249] : memref<3x80x128xf32, #tpu.memory_space<vmem>> -> memref<1x80x128xf32, #tpu.memory_space<vmem>>
        %dma_start3A_251 = tpu.memref_squeeze %dma_start3A_250 : memref<1x80x128xf32, #tpu.memory_space<vmem>> -> memref<80x128xf32, #tpu.memory_space<vmem>>
        %dma_start3A_252 = arith.constant 0 : i32
        %dma_start3A_253 = tpu.memref_slice %arg7[%add3A_117, %dma_start3A_252] : memref<63x80xi32, #tpu.memory_space<vmem>> -> memref<1x80xi32, #tpu.memory_space<vmem>>
        %dma_start3A_254 = tpu.memref_squeeze %dma_start3A_253 : memref<1x80xi32, #tpu.memory_space<vmem>> -> memref<80xi32, #tpu.memory_space<vmem>>
        %dma_start3A_255 = arith.constant 0 : i32
        %dma_start3A_256 = arith.constant 0 : i32
        %dma_start3A_257 = tpu.memref_slice %arg3[%dma_start3A_255, %dma_start3A_256] : memref<160000x128xf32, #tpu.memory_space<hbm>> -> memref<160000x128xf32, #tpu.memory_space<hbm>>
        tpu.enqueue_indirect_dma source(%dma_start3A_257 : memref<160000x128xf32, #tpu.memory_space<hbm>>) target(%dma_start3A_251 : memref<80x128xf32, #tpu.memory_space<vmem>>) offsets(%dma_start3A_254 : memref<80xi32, #tpu.memory_space<vmem>>) semaphore(%arg12 : memref<!tpu.dma_semaphore, #tpu.memory_space<semaphore_mem>>)
      } else {
      }
      %lt3A_136 = arith.constant 63 : i32
      %lt3A_137 = arith.cmpi slt, %add3A_117, %lt3A_136 : i32
      %jit3A_138 = arith.constant 3 : i32
      %eq3A_139 = arith.constant 0 : i32
      %eq3A_140 = arith.cmpi eq, %jit3A_138, %eq3A_139 : i32
      %jit3A_141 = arith.constant 1 : i32
      %select_n3A_142 = arith.select %eq3A_140, %jit3A_141, %jit3A_138 : i32
      %rem3A_143 = arith.remsi %add3A_117, %select_n3A_142 : i32
      %ne3A_144 = arith.constant 0 : i32
      %ne3A_145 = arith.cmpi ne, %rem3A_143, %ne3A_144 : i32
      %lt3A_146 = arith.constant 0 : i32
      %lt3A_147 = arith.cmpi slt, %rem3A_143, %lt3A_146 : i32
      %lt3A_148 = arith.constant 0 : i32
      %lt3A_149 = arith.cmpi slt, %select_n3A_142, %lt3A_148 : i32
      %ne3A_150 = arith.xori %lt3A_147, %lt3A_149 : i1
      %and3A_151 = arith.andi %ne3A_150, %ne3A_145 : i1
      %add3A_152 = arith.addi %rem3A_143, %select_n3A_142 : i32
      %select_n3A_153 = arith.select %and3A_151, %add3A_152, %rem3A_143 : i32
      %eq3A_154 = arith.constant 1 : i32
      %eq3A_155 = arith.cmpi eq, %select_n3A_153, %eq3A_154 : i32
      %and3A_156 = arith.andi %lt3A_137, %eq3A_155 : i1
      %convert_element_type3A_157 = arith.extui %and3A_156 : i1 to i32
      %cond3A_158 = arith.constant 0 : i32
      %cond3A_159 = arith.cmpi ne, %convert_element_type3A_157, %cond3A_158 : i32
      scf.if %cond3A_159 {
        %dma_start3A_247 = arith.constant 1 : i32
        %dma_start3A_248 = arith.constant 0 : i32
        %dma_start3A_249 = arith.constant 0 : i32
        %dma_start3A_250 = tpu.memref_slice %arg9[%dma_start3A_247, %dma_start3A_248, %dma_start3A_249] : memref<3x80x128xf32, #tpu.memory_space<vmem>> -> memref<1x80x128xf32, #tpu.memory_space<vmem>>
        %dma_start3A_251 = tpu.memref_squeeze %dma_start3A_250 : memref<1x80x128xf32, #tpu.memory_space<vmem>> -> memref<80x128xf32, #tpu.memory_space<vmem>>
        %dma_start3A_252 = arith.constant 0 : i32
        %dma_start3A_253 = tpu.memref_slice %arg7[%add3A_117, %dma_start3A_252] : memref<63x80xi32, #tpu.memory_space<vmem>> -> memref<1x80xi32, #tpu.memory_space<vmem>>
        %dma_start3A_254 = tpu.memref_squeeze %dma_start3A_253 : memref<1x80xi32, #tpu.memory_space<vmem>> -> memref<80xi32, #tpu.memory_space<vmem>>
        %dma_start3A_255 = arith.constant 0 : i32
        %dma_start3A_256 = arith.constant 0 : i32
        %dma_start3A_257 = tpu.memref_slice %arg3[%dma_start3A_255, %dma_start3A_256] : memref<160000x128xf32, #tpu.memory_space<hbm>> -> memref<160000x128xf32, #tpu.memory_space<hbm>>
        tpu.enqueue_indirect_dma source(%dma_start3A_257 : memref<160000x128xf32, #tpu.memory_space<hbm>>) target(%dma_start3A_251 : memref<80x128xf32, #tpu.memory_space<vmem>>) offsets(%dma_start3A_254 : memref<80xi32, #tpu.memory_space<vmem>>) semaphore(%arg13 : memref<!tpu.dma_semaphore, #tpu.memory_space<semaphore_mem>>)
      } else {
      }
      %lt3A_160 = arith.constant 63 : i32
      %lt3A_161 = arith.cmpi slt, %add3A_117, %lt3A_160 : i32
      %jit3A_162 = arith.constant 3 : i32
      %eq3A_163 = arith.constant 0 : i32
      %eq3A_164 = arith.cmpi eq, %jit3A_162, %eq3A_163 : i32
      %jit3A_165 = arith.constant 1 : i32
      %select_n3A_166 = arith.select %eq3A_164, %jit3A_165, %jit3A_162 : i32
      %rem3A_167 = arith.remsi %add3A_117, %select_n3A_166 : i32
      %ne3A_168 = arith.constant 0 : i32
      %ne3A_169 = arith.cmpi ne, %rem3A_167, %ne3A_168 : i32
      %lt3A_170 = arith.constant 0 : i32
      %lt3A_171 = arith.cmpi slt, %rem3A_167, %lt3A_170 : i32
      %lt3A_172 = arith.constant 0 : i32
      %lt3A_173 = arith.cmpi slt, %select_n3A_166, %lt3A_172 : i32
      %ne3A_174 = arith.xori %lt3A_171, %lt3A_173 : i1
      %and3A_175 = arith.andi %ne3A_174, %ne3A_169 : i1
      %add3A_176 = arith.addi %rem3A_167, %select_n3A_166 : i32
      %select_n3A_177 = arith.select %and3A_175, %add3A_176, %rem3A_167 : i32
      %eq3A_178 = arith.constant 2 : i32
      %eq3A_179 = arith.cmpi eq, %select_n3A_177, %eq3A_178 : i32
      %and3A_180 = arith.andi %lt3A_161, %eq3A_179 : i1
      %convert_element_type3A_181 = arith.extui %and3A_180 : i1 to i32
      %cond3A_182 = arith.constant 0 : i32
      %cond3A_183 = arith.cmpi ne, %convert_element_type3A_181, %cond3A_182 : i32
      scf.if %cond3A_183 {
        %dma_start3A_247 = arith.constant 2 : i32
        %dma_start3A_248 = arith.constant 0 : i32
        %dma_start3A_249 = arith.constant 0 : i32
        %dma_start3A_250 = tpu.memref_slice %arg9[%dma_start3A_247, %dma_start3A_248, %dma_start3A_249] : memref<3x80x128xf32, #tpu.memory_space<vmem>> -> memref<1x80x128xf32, #tpu.memory_space<vmem>>
        %dma_start3A_251 = tpu.memref_squeeze %dma_start3A_250 : memref<1x80x128xf32, #tpu.memory_space<vmem>> -> memref<80x128xf32, #tpu.memory_space<vmem>>
        %dma_start3A_252 = arith.constant 0 : i32
        %dma_start3A_253 = tpu.memref_slice %arg7[%add3A_117, %dma_start3A_252] : memref<63x80xi32, #tpu.memory_space<vmem>> -> memref<1x80xi32, #tpu.memory_space<vmem>>
        %dma_start3A_254 = tpu.memref_squeeze %dma_start3A_253 : memref<1x80xi32, #tpu.memory_space<vmem>> -> memref<80xi32, #tpu.memory_space<vmem>>
        %dma_start3A_255 = arith.constant 0 : i32
        %dma_start3A_256 = arith.constant 0 : i32
        %dma_start3A_257 = tpu.memref_slice %arg3[%dma_start3A_255, %dma_start3A_256] : memref<160000x128xf32, #tpu.memory_space<hbm>> -> memref<160000x128xf32, #tpu.memory_space<hbm>>
        tpu.enqueue_indirect_dma source(%dma_start3A_257 : memref<160000x128xf32, #tpu.memory_space<hbm>>) target(%dma_start3A_251 : memref<80x128xf32, #tpu.memory_space<vmem>>) offsets(%dma_start3A_254 : memref<80xi32, #tpu.memory_space<vmem>>) semaphore(%arg14 : memref<!tpu.dma_semaphore, #tpu.memory_space<semaphore_mem>>)
      } else {
      }
      %jit3A_184 = arith.constant 3 : i32
      %eq3A_185 = arith.constant 0 : i32
      %eq3A_186 = arith.cmpi eq, %jit3A_184, %eq3A_185 : i32
      %jit3A_187 = arith.constant 1 : i32
      %select_n3A_188 = arith.select %eq3A_186, %jit3A_187, %jit3A_184 : i32
      %rem3A_189 = arith.remsi %scan3A_115, %select_n3A_188 : i32
      %ne3A_190 = arith.constant 0 : i32
      %ne3A_191 = arith.cmpi ne, %rem3A_189, %ne3A_190 : i32
      %lt3A_192 = arith.constant 0 : i32
      %lt3A_193 = arith.cmpi slt, %rem3A_189, %lt3A_192 : i32
      %lt3A_194 = arith.constant 0 : i32
      %lt3A_195 = arith.cmpi slt, %select_n3A_188, %lt3A_194 : i32
      %ne3A_196 = arith.xori %lt3A_193, %lt3A_195 : i1
      %and3A_197 = arith.andi %ne3A_196, %ne3A_191 : i1
      %add3A_198 = arith.addi %rem3A_189, %select_n3A_188 : i32
      %select_n3A_199 = arith.select %and3A_197, %add3A_198, %rem3A_189 : i32
      %eq3A_200 = arith.constant 0 : i32
      %eq3A_201 = arith.cmpi eq, %select_n3A_199, %eq3A_200 : i32
      %convert_element_type3A_202 = arith.extui %eq3A_201 : i1 to i32
      %cond3A_203 = arith.constant 0 : i32
      %cond3A_204 = arith.cmpi ne, %convert_element_type3A_202, %cond3A_203 : i32
      scf.if %cond3A_204 {
        %dma_wait3A = arith.constant 0 : i32
        %dma_wait3A_247 = arith.constant 0 : i32
        %dma_wait3A_248 = arith.constant 0 : i32
        %dma_wait3A_249 = tpu.memref_slice %arg9[%dma_wait3A, %dma_wait3A_247, %dma_wait3A_248] : memref<3x80x128xf32, #tpu.memory_space<vmem>> -> memref<1x80x128xf32, #tpu.memory_space<vmem>>
        %dma_wait3A_250 = tpu.memref_squeeze %dma_wait3A_249 : memref<1x80x128xf32, #tpu.memory_space<vmem>> -> memref<80x128xf32, #tpu.memory_space<vmem>>
        %dma_wait3A_251 = arith.constant 0 : i32
        %dma_wait3A_252 = arith.constant 0 : i32
        %dma_wait3A_253 = tpu.memref_slice %arg3[%dma_wait3A_251, %dma_wait3A_252] : memref<160000x128xf32, #tpu.memory_space<hbm>> -> memref<80x128xf32, #tpu.memory_space<hbm>>
        %dma_wait3A_254 = arith.constant 0 : i32
        %dma_wait3A_255 = arith.constant 0 : i32
        %dma_wait3A_256 = tpu.memref_slice %arg9[%dma_wait3A, %dma_wait3A_254, %dma_wait3A_255] : memref<3x80x128xf32, #tpu.memory_space<vmem>> -> memref<1x80x128xf32, #tpu.memory_space<vmem>>
        %dma_wait3A_257 = tpu.memref_squeeze %dma_wait3A_256 : memref<1x80x128xf32, #tpu.memory_space<vmem>> -> memref<80x128xf32, #tpu.memory_space<vmem>>
        %dma_wait3A_258 = arith.constant 0 : i32
        %dma_wait3A_259 = arith.constant 0 : i32
        %dma_wait3A_260 = tpu.memref_slice %arg3[%dma_wait3A_258, %dma_wait3A_259] : memref<160000x128xf32, #tpu.memory_space<hbm>> -> memref<80x128xf32, #tpu.memory_space<hbm>>
        tpu.wait_dma2 semaphore(%arg12 : memref<!tpu.dma_semaphore, #tpu.memory_space<semaphore_mem>>) src(%dma_wait3A_260 : memref<80x128xf32, #tpu.memory_space<hbm>>) dst(%dma_wait3A_257 : memref<80x128xf32, #tpu.memory_space<vmem>>)
        %run_scoped3A = arith.constant 0 : i32
        "tpu.region"() ({
          %run_scoped3A_261 = tpu.sem_alloc : memref<!tpu.dma_semaphore, #tpu.memory_space<semaphore_mem>>
          %dma_start3A_262 = arith.constant 0 : i32
          %dma_start3A_263 = arith.constant 0 : i32
          %dma_start3A_264 = tpu.memref_slice %arg9[%run_scoped3A, %dma_start3A_262, %dma_start3A_263] : memref<3x80x128xf32, #tpu.memory_space<vmem>> -> memref<1x80x128xf32, #tpu.memory_space<vmem>>
          %dma_start3A_265 = tpu.memref_squeeze %dma_start3A_264 : memref<1x80x128xf32, #tpu.memory_space<vmem>> -> memref<80x128xf32, #tpu.memory_space<vmem>>
          %dma_start3A_266 = arith.constant 0 : i32
          %dma_start3A_267 = tpu.memref_slice %arg8[%scan3A_115, %dma_start3A_266] : memref<63x80xi32, #tpu.memory_space<vmem>> -> memref<1x80xi32, #tpu.memory_space<vmem>>
          %dma_start3A_268 = tpu.memref_squeeze %dma_start3A_267 : memref<1x80xi32, #tpu.memory_space<vmem>> -> memref<80xi32, #tpu.memory_space<vmem>>
          %dma_start3A_269 = arith.constant 0 : i32
          %dma_start3A_270 = arith.constant 0 : i32
          %dma_start3A_271 = tpu.memref_slice %arg11[%dma_start3A_269, %dma_start3A_270] : memref<10008x128xf32, #tpu.memory_space<vmem_shared>> -> memref<10008x128xf32, #tpu.memory_space<vmem_shared>>
          tpu.enqueue_indirect_dma source(%dma_start3A_265 : memref<80x128xf32, #tpu.memory_space<vmem>>) target(%dma_start3A_271 : memref<10008x128xf32, #tpu.memory_space<vmem_shared>>) offsets(%dma_start3A_268 : memref<80xi32, #tpu.memory_space<vmem>>) semaphore(%run_scoped3A_261 : memref<!tpu.dma_semaphore, #tpu.memory_space<semaphore_mem>>) {add = true}
          %dma_wait3A_272 = arith.constant 0 : i32
          %dma_wait3A_273 = arith.constant 0 : i32
          %dma_wait3A_274 = tpu.memref_slice %arg9[%run_scoped3A, %dma_wait3A_272, %dma_wait3A_273] : memref<3x80x128xf32, #tpu.memory_space<vmem>> -> memref<1x80x128xf32, #tpu.memory_space<vmem>>
          %dma_wait3A_275 = tpu.memref_squeeze %dma_wait3A_274 : memref<1x80x128xf32, #tpu.memory_space<vmem>> -> memref<80x128xf32, #tpu.memory_space<vmem>>
          %dma_wait3A_276 = arith.constant 0 : i32
          %dma_wait3A_277 = tpu.memref_slice %arg8[%scan3A_115, %dma_wait3A_276] : memref<63x80xi32, #tpu.memory_space<vmem>> -> memref<1x80xi32, #tpu.memory_space<vmem>>
          %dma_wait3A_278 = tpu.memref_squeeze %dma_wait3A_277 : memref<1x80xi32, #tpu.memory_space<vmem>> -> memref<80xi32, #tpu.memory_space<vmem>>
          %dma_wait3A_279 = arith.constant 0 : i32
          %dma_wait3A_280 = arith.constant 0 : i32
          %dma_wait3A_281 = tpu.memref_slice %arg11[%dma_wait3A_279, %dma_wait3A_280] : memref<10008x128xf32, #tpu.memory_space<vmem_shared>> -> memref<10008x128xf32, #tpu.memory_space<vmem_shared>>
          tpu.wait_indirect_dma semaphore(%run_scoped3A_261 : memref<!tpu.dma_semaphore, #tpu.memory_space<semaphore_mem>>) src(%dma_wait3A_275 : memref<80x128xf32, #tpu.memory_space<vmem>>) dst(%dma_wait3A_281 : memref<10008x128xf32, #tpu.memory_space<vmem_shared>>)
          tpu.yield
        }) : () -> ()
      } else {
      }
      %jit3A_205 = arith.constant 3 : i32
      %eq3A_206 = arith.constant 0 : i32
      %eq3A_207 = arith.cmpi eq, %jit3A_205, %eq3A_206 : i32
      %jit3A_208 = arith.constant 1 : i32
      %select_n3A_209 = arith.select %eq3A_207, %jit3A_208, %jit3A_205 : i32
      %rem3A_210 = arith.remsi %scan3A_115, %select_n3A_209 : i32
      %ne3A_211 = arith.constant 0 : i32
      %ne3A_212 = arith.cmpi ne, %rem3A_210, %ne3A_211 : i32
      %lt3A_213 = arith.constant 0 : i32
      %lt3A_214 = arith.cmpi slt, %rem3A_210, %lt3A_213 : i32
      %lt3A_215 = arith.constant 0 : i32
      %lt3A_216 = arith.cmpi slt, %select_n3A_209, %lt3A_215 : i32
      %ne3A_217 = arith.xori %lt3A_214, %lt3A_216 : i1
      %and3A_218 = arith.andi %ne3A_217, %ne3A_212 : i1
      %add3A_219 = arith.addi %rem3A_210, %select_n3A_209 : i32
      %select_n3A_220 = arith.select %and3A_218, %add3A_219, %rem3A_210 : i32
      %eq3A_221 = arith.constant 1 : i32
      %eq3A_222 = arith.cmpi eq, %select_n3A_220, %eq3A_221 : i32
      %convert_element_type3A_223 = arith.extui %eq3A_222 : i1 to i32
      %cond3A_224 = arith.constant 0 : i32
      %cond3A_225 = arith.cmpi ne, %convert_element_type3A_223, %cond3A_224 : i32
      scf.if %cond3A_225 {
        %dma_wait3A = arith.constant 1 : i32
        %dma_wait3A_247 = arith.constant 0 : i32
        %dma_wait3A_248 = arith.constant 0 : i32
        %dma_wait3A_249 = tpu.memref_slice %arg9[%dma_wait3A, %dma_wait3A_247, %dma_wait3A_248] : memref<3x80x128xf32, #tpu.memory_space<vmem>> -> memref<1x80x128xf32, #tpu.memory_space<vmem>>
        %dma_wait3A_250 = tpu.memref_squeeze %dma_wait3A_249 : memref<1x80x128xf32, #tpu.memory_space<vmem>> -> memref<80x128xf32, #tpu.memory_space<vmem>>
        %dma_wait3A_251 = arith.constant 0 : i32
        %dma_wait3A_252 = arith.constant 0 : i32
        %dma_wait3A_253 = tpu.memref_slice %arg3[%dma_wait3A_251, %dma_wait3A_252] : memref<160000x128xf32, #tpu.memory_space<hbm>> -> memref<80x128xf32, #tpu.memory_space<hbm>>
        %dma_wait3A_254 = arith.constant 0 : i32
        %dma_wait3A_255 = arith.constant 0 : i32
        %dma_wait3A_256 = tpu.memref_slice %arg9[%dma_wait3A, %dma_wait3A_254, %dma_wait3A_255] : memref<3x80x128xf32, #tpu.memory_space<vmem>> -> memref<1x80x128xf32, #tpu.memory_space<vmem>>
        %dma_wait3A_257 = tpu.memref_squeeze %dma_wait3A_256 : memref<1x80x128xf32, #tpu.memory_space<vmem>> -> memref<80x128xf32, #tpu.memory_space<vmem>>
        %dma_wait3A_258 = arith.constant 0 : i32
        %dma_wait3A_259 = arith.constant 0 : i32
        %dma_wait3A_260 = tpu.memref_slice %arg3[%dma_wait3A_258, %dma_wait3A_259] : memref<160000x128xf32, #tpu.memory_space<hbm>> -> memref<80x128xf32, #tpu.memory_space<hbm>>
        tpu.wait_dma2 semaphore(%arg13 : memref<!tpu.dma_semaphore, #tpu.memory_space<semaphore_mem>>) src(%dma_wait3A_260 : memref<80x128xf32, #tpu.memory_space<hbm>>) dst(%dma_wait3A_257 : memref<80x128xf32, #tpu.memory_space<vmem>>)
        %run_scoped3A = arith.constant 1 : i32
        "tpu.region"() ({
          %run_scoped3A_261 = tpu.sem_alloc : memref<!tpu.dma_semaphore, #tpu.memory_space<semaphore_mem>>
          %dma_start3A_262 = arith.constant 0 : i32
          %dma_start3A_263 = arith.constant 0 : i32
          %dma_start3A_264 = tpu.memref_slice %arg9[%run_scoped3A, %dma_start3A_262, %dma_start3A_263] : memref<3x80x128xf32, #tpu.memory_space<vmem>> -> memref<1x80x128xf32, #tpu.memory_space<vmem>>
          %dma_start3A_265 = tpu.memref_squeeze %dma_start3A_264 : memref<1x80x128xf32, #tpu.memory_space<vmem>> -> memref<80x128xf32, #tpu.memory_space<vmem>>
          %dma_start3A_266 = arith.constant 0 : i32
          %dma_start3A_267 = tpu.memref_slice %arg8[%scan3A_115, %dma_start3A_266] : memref<63x80xi32, #tpu.memory_space<vmem>> -> memref<1x80xi32, #tpu.memory_space<vmem>>
          %dma_start3A_268 = tpu.memref_squeeze %dma_start3A_267 : memref<1x80xi32, #tpu.memory_space<vmem>> -> memref<80xi32, #tpu.memory_space<vmem>>
          %dma_start3A_269 = arith.constant 0 : i32
          %dma_start3A_270 = arith.constant 0 : i32
          %dma_start3A_271 = tpu.memref_slice %arg11[%dma_start3A_269, %dma_start3A_270] : memref<10008x128xf32, #tpu.memory_space<vmem_shared>> -> memref<10008x128xf32, #tpu.memory_space<vmem_shared>>
          tpu.enqueue_indirect_dma source(%dma_start3A_265 : memref<80x128xf32, #tpu.memory_space<vmem>>) target(%dma_start3A_271 : memref<10008x128xf32, #tpu.memory_space<vmem_shared>>) offsets(%dma_start3A_268 : memref<80xi32, #tpu.memory_space<vmem>>) semaphore(%run_scoped3A_261 : memref<!tpu.dma_semaphore, #tpu.memory_space<semaphore_mem>>) {add = true}
          %dma_wait3A_272 = arith.constant 0 : i32
          %dma_wait3A_273 = arith.constant 0 : i32
          %dma_wait3A_274 = tpu.memref_slice %arg9[%run_scoped3A, %dma_wait3A_272, %dma_wait3A_273] : memref<3x80x128xf32, #tpu.memory_space<vmem>> -> memref<1x80x128xf32, #tpu.memory_space<vmem>>
          %dma_wait3A_275 = tpu.memref_squeeze %dma_wait3A_274 : memref<1x80x128xf32, #tpu.memory_space<vmem>> -> memref<80x128xf32, #tpu.memory_space<vmem>>
          %dma_wait3A_276 = arith.constant 0 : i32
          %dma_wait3A_277 = tpu.memref_slice %arg8[%scan3A_115, %dma_wait3A_276] : memref<63x80xi32, #tpu.memory_space<vmem>> -> memref<1x80xi32, #tpu.memory_space<vmem>>
          %dma_wait3A_278 = tpu.memref_squeeze %dma_wait3A_277 : memref<1x80xi32, #tpu.memory_space<vmem>> -> memref<80xi32, #tpu.memory_space<vmem>>
          %dma_wait3A_279 = arith.constant 0 : i32
          %dma_wait3A_280 = arith.constant 0 : i32
          %dma_wait3A_281 = tpu.memref_slice %arg11[%dma_wait3A_279, %dma_wait3A_280] : memref<10008x128xf32, #tpu.memory_space<vmem_shared>> -> memref<10008x128xf32, #tpu.memory_space<vmem_shared>>
          tpu.wait_indirect_dma semaphore(%run_scoped3A_261 : memref<!tpu.dma_semaphore, #tpu.memory_space<semaphore_mem>>) src(%dma_wait3A_275 : memref<80x128xf32, #tpu.memory_space<vmem>>) dst(%dma_wait3A_281 : memref<10008x128xf32, #tpu.memory_space<vmem_shared>>)
          tpu.yield
        }) : () -> ()
      } else {
      }
      %jit3A_226 = arith.constant 3 : i32
      %eq3A_227 = arith.constant 0 : i32
      %eq3A_228 = arith.cmpi eq, %jit3A_226, %eq3A_227 : i32
      %jit3A_229 = arith.constant 1 : i32
      %select_n3A_230 = arith.select %eq3A_228, %jit3A_229, %jit3A_226 : i32
      %rem3A_231 = arith.remsi %scan3A_115, %select_n3A_230 : i32
      %ne3A_232 = arith.constant 0 : i32
      %ne3A_233 = arith.cmpi ne, %rem3A_231, %ne3A_232 : i32
      %lt3A_234 = arith.constant 0 : i32
      %lt3A_235 = arith.cmpi slt, %rem3A_231, %lt3A_234 : i32
      %lt3A_236 = arith.constant 0 : i32
      %lt3A_237 = arith.cmpi slt, %select_n3A_230, %lt3A_236 : i32
      %ne3A_238 = arith.xori %lt3A_235, %lt3A_237 : i1
      %and3A_239 = arith.andi %ne3A_238, %ne3A_233 : i1
      %add3A_240 = arith.addi %rem3A_231, %select_n3A_230 : i32
      %select_n3A_241 = arith.select %and3A_239, %add3A_240, %rem3A_231 : i32
      %eq3A_242 = arith.constant 2 : i32
      %eq3A_243 = arith.cmpi eq, %select_n3A_241, %eq3A_242 : i32
      %convert_element_type3A_244 = arith.extui %eq3A_243 : i1 to i32
      %cond3A_245 = arith.constant 0 : i32
      %cond3A_246 = arith.cmpi ne, %convert_element_type3A_244, %cond3A_245 : i32
      scf.if %cond3A_246 {
        %dma_wait3A = arith.constant 2 : i32
        %dma_wait3A_247 = arith.constant 0 : i32
        %dma_wait3A_248 = arith.constant 0 : i32
        %dma_wait3A_249 = tpu.memref_slice %arg9[%dma_wait3A, %dma_wait3A_247, %dma_wait3A_248] : memref<3x80x128xf32, #tpu.memory_space<vmem>> -> memref<1x80x128xf32, #tpu.memory_space<vmem>>
        %dma_wait3A_250 = tpu.memref_squeeze %dma_wait3A_249 : memref<1x80x128xf32, #tpu.memory_space<vmem>> -> memref<80x128xf32, #tpu.memory_space<vmem>>
        %dma_wait3A_251 = arith.constant 0 : i32
        %dma_wait3A_252 = arith.constant 0 : i32
        %dma_wait3A_253 = tpu.memref_slice %arg3[%dma_wait3A_251, %dma_wait3A_252] : memref<160000x128xf32, #tpu.memory_space<hbm>> -> memref<80x128xf32, #tpu.memory_space<hbm>>
        %dma_wait3A_254 = arith.constant 0 : i32
        %dma_wait3A_255 = arith.constant 0 : i32
        %dma_wait3A_256 = tpu.memref_slice %arg9[%dma_wait3A, %dma_wait3A_254, %dma_wait3A_255] : memref<3x80x128xf32, #tpu.memory_space<vmem>> -> memref<1x80x128xf32, #tpu.memory_space<vmem>>
        %dma_wait3A_257 = tpu.memref_squeeze %dma_wait3A_256 : memref<1x80x128xf32, #tpu.memory_space<vmem>> -> memref<80x128xf32, #tpu.memory_space<vmem>>
        %dma_wait3A_258 = arith.constant 0 : i32
        %dma_wait3A_259 = arith.constant 0 : i32
        %dma_wait3A_260 = tpu.memref_slice %arg3[%dma_wait3A_258, %dma_wait3A_259] : memref<160000x128xf32, #tpu.memory_space<hbm>> -> memref<80x128xf32, #tpu.memory_space<hbm>>
        tpu.wait_dma2 semaphore(%arg14 : memref<!tpu.dma_semaphore, #tpu.memory_space<semaphore_mem>>) src(%dma_wait3A_260 : memref<80x128xf32, #tpu.memory_space<hbm>>) dst(%dma_wait3A_257 : memref<80x128xf32, #tpu.memory_space<vmem>>)
        %run_scoped3A = arith.constant 2 : i32
        "tpu.region"() ({
          %run_scoped3A_261 = tpu.sem_alloc : memref<!tpu.dma_semaphore, #tpu.memory_space<semaphore_mem>>
          %dma_start3A_262 = arith.constant 0 : i32
          %dma_start3A_263 = arith.constant 0 : i32
          %dma_start3A_264 = tpu.memref_slice %arg9[%run_scoped3A, %dma_start3A_262, %dma_start3A_263] : memref<3x80x128xf32, #tpu.memory_space<vmem>> -> memref<1x80x128xf32, #tpu.memory_space<vmem>>
          %dma_start3A_265 = tpu.memref_squeeze %dma_start3A_264 : memref<1x80x128xf32, #tpu.memory_space<vmem>> -> memref<80x128xf32, #tpu.memory_space<vmem>>
          %dma_start3A_266 = arith.constant 0 : i32
          %dma_start3A_267 = tpu.memref_slice %arg8[%scan3A_115, %dma_start3A_266] : memref<63x80xi32, #tpu.memory_space<vmem>> -> memref<1x80xi32, #tpu.memory_space<vmem>>
          %dma_start3A_268 = tpu.memref_squeeze %dma_start3A_267 : memref<1x80xi32, #tpu.memory_space<vmem>> -> memref<80xi32, #tpu.memory_space<vmem>>
          %dma_start3A_269 = arith.constant 0 : i32
          %dma_start3A_270 = arith.constant 0 : i32
          %dma_start3A_271 = tpu.memref_slice %arg11[%dma_start3A_269, %dma_start3A_270] : memref<10008x128xf32, #tpu.memory_space<vmem_shared>> -> memref<10008x128xf32, #tpu.memory_space<vmem_shared>>
          tpu.enqueue_indirect_dma source(%dma_start3A_265 : memref<80x128xf32, #tpu.memory_space<vmem>>) target(%dma_start3A_271 : memref<10008x128xf32, #tpu.memory_space<vmem_shared>>) offsets(%dma_start3A_268 : memref<80xi32, #tpu.memory_space<vmem>>) semaphore(%run_scoped3A_261 : memref<!tpu.dma_semaphore, #tpu.memory_space<semaphore_mem>>) {add = true}
          %dma_wait3A_272 = arith.constant 0 : i32
          %dma_wait3A_273 = arith.constant 0 : i32
          %dma_wait3A_274 = tpu.memref_slice %arg9[%run_scoped3A, %dma_wait3A_272, %dma_wait3A_273] : memref<3x80x128xf32, #tpu.memory_space<vmem>> -> memref<1x80x128xf32, #tpu.memory_space<vmem>>
          %dma_wait3A_275 = tpu.memref_squeeze %dma_wait3A_274 : memref<1x80x128xf32, #tpu.memory_space<vmem>> -> memref<80x128xf32, #tpu.memory_space<vmem>>
          %dma_wait3A_276 = arith.constant 0 : i32
          %dma_wait3A_277 = tpu.memref_slice %arg8[%scan3A_115, %dma_wait3A_276] : memref<63x80xi32, #tpu.memory_space<vmem>> -> memref<1x80xi32, #tpu.memory_space<vmem>>
          %dma_wait3A_278 = tpu.memref_squeeze %dma_wait3A_277 : memref<1x80xi32, #tpu.memory_space<vmem>> -> memref<80xi32, #tpu.memory_space<vmem>>
          %dma_wait3A_279 = arith.constant 0 : i32
          %dma_wait3A_280 = arith.constant 0 : i32
          %dma_wait3A_281 = tpu.memref_slice %arg11[%dma_wait3A_279, %dma_wait3A_280] : memref<10008x128xf32, #tpu.memory_space<vmem_shared>> -> memref<10008x128xf32, #tpu.memory_space<vmem_shared>>
          tpu.wait_indirect_dma semaphore(%run_scoped3A_261 : memref<!tpu.dma_semaphore, #tpu.memory_space<semaphore_mem>>) src(%dma_wait3A_275 : memref<80x128xf32, #tpu.memory_space<vmem>>) dst(%dma_wait3A_281 : memref<10008x128xf32, #tpu.memory_space<vmem_shared>>)
          tpu.yield
        }) : () -> ()
      } else {
      }
    }
    %scan3A_100 = arith.constant 63 : i32
    %barrier3A_101 = arith.constant 0 : index
    tpu.barrier barrier_id(%barrier3A_101)
    %mul3A_102 = arith.constant 2 : i32
    %mul3A_103 = arith.muli %arg0, %mul3A_102 : i32
    %add3A_104 = arith.constant 1 : i32
    %add3A_105 = arith.addi %mul3A_103, %add3A_104 : i32
    %mul3A_106 = arith.constant 10000 : i32
    %mul3A_107 = arith.muli %add3A_105, %mul3A_106 : i32
    %add3A_108 = arith.addi %mul3A_107, %mul3A_7 : i32
    "tpu.region"() ({
      %run_scoped3A = tpu.sem_alloc : memref<!tpu.dma_semaphore, #tpu.memory_space<semaphore_mem>>
      %dma_start3A_115 = arith.constant 0 : i32
      %dma_start3A_116 = tpu.memref_slice %arg6[%add3A_108, %dma_start3A_115] : memref<40000x128xf32, #tpu.memory_space<hbm>> -> memref<624x128xf32, #tpu.memory_space<hbm>>
      %dma_start3A_117 = arith.constant 0 : i32
      %dma_start3A_118 = tpu.memref_slice %arg11[%mul3A_7, %dma_start3A_117] : memref<10008x128xf32, #tpu.memory_space<vmem_shared>> -> memref<624x128xf32, #tpu.memory_space<vmem_shared>>
      tpu.enqueue_dma source(%dma_start3A_118 : memref<624x128xf32, #tpu.memory_space<vmem_shared>>) target(%dma_start3A_116 : memref<624x128xf32, #tpu.memory_space<hbm>>) target_semaphore(%run_scoped3A : memref<!tpu.dma_semaphore, #tpu.memory_space<semaphore_mem>>)
      %dma_wait3A = arith.constant 0 : i32
      %dma_wait3A_119 = tpu.memref_slice %arg6[%add3A_108, %dma_wait3A] : memref<40000x128xf32, #tpu.memory_space<hbm>> -> memref<624x128xf32, #tpu.memory_space<hbm>>
      %dma_wait3A_120 = arith.constant 0 : i32
      %dma_wait3A_121 = tpu.memref_slice %arg11[%mul3A_7, %dma_wait3A_120] : memref<10008x128xf32, #tpu.memory_space<vmem_shared>> -> memref<624x128xf32, #tpu.memory_space<vmem_shared>>
      tpu.wait_dma2 semaphore(%run_scoped3A : memref<!tpu.dma_semaphore, #tpu.memory_space<semaphore_mem>>) src(%dma_wait3A_121 : memref<624x128xf32, #tpu.memory_space<vmem_shared>>) dst(%dma_wait3A_119 : memref<624x128xf32, #tpu.memory_space<hbm>>)
      tpu.yield
    }) : () -> ()
    %eq3A_109 = arith.constant 15 : i32
    %eq3A_110 = arith.cmpi eq, %arg1, %eq3A_109 : i32
    %convert_element_type3A_111 = arith.extui %eq3A_110 : i1 to i32
    %cond3A_112 = arith.constant 0 : i32
    %cond3A_113 = arith.cmpi ne, %convert_element_type3A_111, %cond3A_112 : i32
    scf.if %cond3A_113 {
      %add3A_115 = arith.constant 9984 : i32
      %add3A_116 = arith.addi %mul3A_107, %add3A_115 : i32
      "tpu.region"() ({
        %run_scoped3A = tpu.sem_alloc : memref<!tpu.dma_semaphore, #tpu.memory_space<semaphore_mem>>
        %dma_start3A_117 = arith.constant 0 : i32
        %dma_start3A_118 = tpu.memref_slice %arg6[%add3A_116, %dma_start3A_117] : memref<40000x128xf32, #tpu.memory_space<hbm>> -> memref<16x128xf32, #tpu.memory_space<hbm>>
        %dma_start3A_119 = arith.constant 9984 : i32
        %dma_start3A_120 = arith.constant 0 : i32
        %dma_start3A_121 = tpu.memref_slice %arg11[%dma_start3A_119, %dma_start3A_120] : memref<10008x128xf32, #tpu.memory_space<vmem_shared>> -> memref<16x128xf32, #tpu.memory_space<vmem_shared>>
        tpu.enqueue_dma source(%dma_start3A_121 : memref<16x128xf32, #tpu.memory_space<vmem_shared>>) target(%dma_start3A_118 : memref<16x128xf32, #tpu.memory_space<hbm>>) target_semaphore(%run_scoped3A : memref<!tpu.dma_semaphore, #tpu.memory_space<semaphore_mem>>)
        %dma_wait3A = arith.constant 0 : i32
        %dma_wait3A_122 = tpu.memref_slice %arg6[%add3A_116, %dma_wait3A] : memref<40000x128xf32, #tpu.memory_space<hbm>> -> memref<16x128xf32, #tpu.memory_space<hbm>>
        %dma_wait3A_123 = arith.constant 9984 : i32
        %dma_wait3A_124 = arith.constant 0 : i32
        %dma_wait3A_125 = tpu.memref_slice %arg11[%dma_wait3A_123, %dma_wait3A_124] : memref<10008x128xf32, #tpu.memory_space<vmem_shared>> -> memref<16x128xf32, #tpu.memory_space<vmem_shared>>
        tpu.wait_dma2 semaphore(%run_scoped3A : memref<!tpu.dma_semaphore, #tpu.memory_space<semaphore_mem>>) src(%dma_wait3A_125 : memref<16x128xf32, #tpu.memory_space<vmem_shared>>) dst(%dma_wait3A_122 : memref<16x128xf32, #tpu.memory_space<hbm>>)
        tpu.yield
      }) : () -> ()
    } else {
    }
    %barrier3A_114 = arith.constant 0 : index
    tpu.barrier barrier_id(%barrier3A_114)
    return
  }
}

module attributes {stable_mosaic.version = 14 : i64} {
  func.func @_idx_body(%arg0: memref<1250x128xi32, #tpu.memory_space<vmem>>, %arg1: memref<1250x128xi32, #tpu.memory_space<vmem>>, %arg2: memref<1250x128xi32, #tpu.memory_space<vmem>>) attributes {dimension_semantics = [], scalar_prefetch = 0 : i64, scratch_operands = 0 : i64, tpu.core_type = #tpu.core_type<tc>} {
    %get3A = arith.constant 0 : index
    %get3A_0 = arith.constant 0 : index
    %get3A_1 = vector.load %arg1[%get3A, %get3A_0] : memref<1250x128xi32, #tpu.memory_space<vmem>>, vector<1250x128xi32>
    %mul3A = arith.constant 10000 : i32
    %mul3A_2 = vector.broadcast %mul3A : i32 to vector<1250x128xi32>
    %mul3A_3 = arith.muli %get3A_1, %mul3A_2 : vector<1250x128xi32>
    %get3A_4 = arith.constant 0 : index
    %get3A_5 = arith.constant 0 : index
    %get3A_6 = vector.load %arg0[%get3A_4, %get3A_5] : memref<1250x128xi32, #tpu.memory_space<vmem>>, vector<1250x128xi32>
    %add3A = arith.addi %mul3A_3, %get3A_6 : vector<1250x128xi32>
    %swap3A = arith.constant 0 : index
    %swap3A_7 = arith.constant 0 : index
    %swap3A_8 = vector.load %arg2[%swap3A, %swap3A_7] : memref<1250x128xi32, #tpu.memory_space<vmem>>, vector<1250x128xi32>
    tpu.vector_store %arg2[%swap3A, %swap3A_7], %add3A {strides = array<i32>} : memref<1250x128xi32, #tpu.memory_space<vmem>>, vector<1250x128xi32>,
    return
  }
}

module attributes {stable_mosaic.version = 14 : i64} {
  func.func @_mm_body(%arg0: i32, %arg1: i32, %arg2: memref<2000x256xf32, #tpu.memory_space<vmem>>, %arg3: memref<1x256x256xf32, #tpu.memory_space<vmem>>, %arg4: memref<2000x128xf32, #tpu.memory_space<vmem>>, %arg5: memref<2000x128xf32, #tpu.memory_space<vmem>>) attributes {dimension_semantics = [#tpu.dimension_semantics<arbitrary>, #tpu.dimension_semantics<arbitrary>], iteration_bounds = array<i64: 5, 16>, scalar_prefetch = 0 : i64, scratch_operands = 0 : i64, tpu.core_type = #tpu.core_type<tc>, window_params = [{transform_indices = @transform_0, window_bounds = array<i64: 2000, 256>}, {transform_indices = @transform_1, window_bounds = array<i64: 1, 256, 256>}, {transform_indices = @transform_2, window_bounds = array<i64: 2000, 128>}, {transform_indices = @transform_3, window_bounds = array<i64: 2000, 128>}]} {
    %get3A = arith.constant 0 : index
    %get3A_0 = arith.constant 0 : index
    %get3A_1 = vector.load %arg2[%get3A, %get3A_0] : memref<2000x256xf32, #tpu.memory_space<vmem>>, vector<2000x256xf32>
    %get3A_2 = arith.constant 0 : index
    %get3A_3 = arith.constant 0 : index
    %get3A_4 = arith.constant 0 : index
    %get3A_5 = vector.load %arg3[%get3A_2, %get3A_3, %get3A_4] : memref<1x256x256xf32, #tpu.memory_space<vmem>>, vector<1x256x256xf32>
    %get3A_6 = vector.shape_cast %get3A_5 : vector<1x256x256xf32> to vector<256x256xf32>
    %dot_general3A = arith.constant dense<0.000000e+00> : vector<2000x256xf32>
    %dot_general3A_7 = tpu.matmul %get3A_1, %get3A_6, %dot_general3A {dimension_numbers = #tpu.dot_dimension_numbers<[1], [0], [0], [1], [0, 0, 1, 1], [], []>, transpose_lhs_hint = false} : vector<2000x256xf32>, vector<256x256xf32>, vector<2000x256xf32> -> vector<2000x256xf32>
    %slice3A = vector.extract_strided_slice %dot_general3A_7 {offsets = [0, 0], sizes = [2000, 128], strides = [1, 1]} : vector<2000x256xf32> to vector<2000x128xf32>
    %swap3A = arith.constant 0 : index
    %swap3A_8 = arith.constant 0 : index
    %swap3A_9 = vector.load %arg4[%swap3A, %swap3A_8] : memref<2000x128xf32, #tpu.memory_space<vmem>>, vector<2000x128xf32>
    tpu.vector_store %arg4[%swap3A, %swap3A_8], %slice3A {strides = array<i32>} : memref<2000x128xf32, #tpu.memory_space<vmem>>, vector<2000x128xf32>,
    %slice3A_10 = vector.extract_strided_slice %dot_general3A_7 {offsets = [0, 128], sizes = [2000, 128], strides = [1, 1]} : vector<2000x256xf32> to vector<2000x128xf32>
    %swap3A_11 = arith.constant 0 : index
    %swap3A_12 = arith.constant 0 : index
    %swap3A_13 = vector.load %arg5[%swap3A_11, %swap3A_12] : memref<2000x128xf32, #tpu.memory_space<vmem>>, vector<2000x128xf32>
    tpu.vector_store %arg5[%swap3A_11, %swap3A_12], %slice3A_10 {strides = array<i32>} : memref<2000x128xf32, #tpu.memory_space<vmem>>, vector<2000x128xf32>,
    return
  }
  func.func @transform_0(%arg0: i32, %arg1: i32) -> (i32, i32) {
    %c0_i32 = arith.constant 0 : i32
    %c0_i32_0 = arith.constant 0 : i32
    return %arg0, %c0_i32 : i32, i32
  }
  func.func @transform_1(%arg0: i32, %arg1: i32) -> (i32, i32, i32) {
    %c0_i32 = arith.constant 0 : i32
    %c0_i32_0 = arith.constant 0 : i32
    %c0_i32_1 = arith.constant 0 : i32
    return %arg1, %c0_i32, %c0_i32_0 : i32, i32, i32
  }
  func.func @transform_2(%arg0: i32, %arg1: i32) -> (i32, i32) {
    %mul3A = arith.constant 5 : i32
    %mul3A_0 = arith.muli %arg1, %mul3A : i32
    %add3A = arith.addi %mul3A_0, %arg0 : i32
    %c0_i32 = arith.constant 0 : i32
    %c0_i32_1 = arith.constant 0 : i32
    return %add3A, %c0_i32 : i32, i32
  }
  func.func @transform_3(%arg0: i32, %arg1: i32) -> (i32, i32) {
    %mul3A = arith.constant 5 : i32
    %mul3A_0 = arith.muli %arg1, %mul3A : i32
    %add3A = arith.addi %mul3A_0, %arg0 : i32
    %c0_i32 = arith.constant 0 : i32
    %c0_i32_1 = arith.constant 0 : i32
    return %add3A, %c0_i32 : i32, i32
  }
}

module attributes {stable_mosaic.version = 14 : i64} {
  func.func @_post_body(%arg0: memref<2x2x10000x128xf32, #tpu.memory_space<vmem>>, %arg1: memref<10000x256xf32, #tpu.memory_space<vmem>>, %arg2: memref<1x10000xi32, #tpu.memory_space<vmem>>, %arg3: memref<1x256xf32, #tpu.memory_space<vmem>>, %arg4: memref<256x256xf32, #tpu.memory_space<vmem>>, %arg5: memref<1x256xf32, #tpu.memory_space<vmem>>, %arg6: memref<1x256xf32, #tpu.memory_space<vmem>>, %arg7: memref<1x256xf32, #tpu.memory_space<vmem>>, %arg8: memref<1x256xf32, #tpu.memory_space<vmem>>, %arg9: memref<1x1xf32, #tpu.memory_space<vmem>>, %arg10: memref<256x128xf32, #tpu.memory_space<vmem>>, %arg11: memref<1x128xf32, #tpu.memory_space<vmem>>, %arg12: memref<1x128xf32, #tpu.memory_space<vmem>>, %arg13: memref<1x128xf32, #tpu.memory_space<vmem>>, %arg14: memref<128x128xf32, #tpu.memory_space<vmem>>, %arg15: memref<1x128xf32, #tpu.memory_space<vmem>>, %arg16: memref<1x128xf32, #tpu.memory_space<vmem>>, %arg17: memref<1x128xf32, #tpu.memory_space<vmem>>, %arg18: memref<128x128xf32, #tpu.memory_space<vmem>>, %arg19: memref<1x128xf32, #tpu.memory_space<vmem>>, %arg20: memref<1x128xf32, #tpu.memory_space<vmem>>, %arg21: memref<1x128xf32, #tpu.memory_space<vmem>>, %arg22: memref<128x1xf32, #tpu.memory_space<vmem>>, %arg23: memref<1x1xf32, #tpu.memory_space<vmem>>, %arg24: memref<256x1xf32, #tpu.memory_space<vmem>>) attributes {dimension_semantics = [], scalar_prefetch = 0 : i64, scratch_operands = 0 : i64, tpu.core_type = #tpu.core_type<tc>} {
    %get3A = arith.constant 0 : index
    %get3A_0 = arith.constant 0 : index
    %get3A_1 = vector.load %arg1[%get3A, %get3A_0] : memref<10000x256xf32, #tpu.memory_space<vmem>>, vector<10000x256xf32>
    %get3A_2 = arith.constant 0 : index
    %get3A_3 = arith.constant 0 : index
    %get3A_4 = arith.constant 0 : index
    %get3A_5 = arith.constant 0 : index
    %get3A_6 = vector.load %arg0[%get3A_2, %get3A_3, %get3A_4, %get3A_5] : memref<2x2x10000x128xf32, #tpu.memory_space<vmem>>, vector<2x2x10000x128xf32>
    %slice3A = vector.extract_strided_slice %get3A_6 {offsets = [0, 0, 0, 0], sizes = [1, 1, 10000, 128], strides = [1, 1, 1, 1]} : vector<2x2x10000x128xf32> to vector<1x1x10000x128xf32>
    %squeeze3A = vector.shape_cast %slice3A : vector<1x1x10000x128xf32> to vector<10000x128xf32>
    %slice3A_7 = vector.extract_strided_slice %get3A_6 {offsets = [1, 0, 0, 0], sizes = [1, 1, 10000, 128], strides = [1, 1, 1, 1]} : vector<2x2x10000x128xf32> to vector<1x1x10000x128xf32>
    %squeeze3A_8 = vector.shape_cast %slice3A_7 : vector<1x1x10000x128xf32> to vector<10000x128xf32>
    %add3A = arith.addf %squeeze3A, %squeeze3A_8 : vector<10000x128xf32>
    %slice3A_9 = vector.extract_strided_slice %get3A_6 {offsets = [0, 1, 0, 0], sizes = [1, 1, 10000, 128], strides = [1, 1, 1, 1]} : vector<2x2x10000x128xf32> to vector<1x1x10000x128xf32>
    %squeeze3A_10 = vector.shape_cast %slice3A_9 : vector<1x1x10000x128xf32> to vector<10000x128xf32>
    %slice3A_11 = vector.extract_strided_slice %get3A_6 {offsets = [1, 1, 0, 0], sizes = [1, 1, 10000, 128], strides = [1, 1, 1, 1]} : vector<2x2x10000x128xf32> to vector<1x1x10000x128xf32>
    %squeeze3A_12 = vector.shape_cast %slice3A_11 : vector<1x1x10000x128xf32> to vector<10000x128xf32>
    %add3A_13 = arith.addf %squeeze3A_10, %squeeze3A_12 : vector<10000x128xf32>
    %concatenate3A = tpu.concatenate %add3A, %add3A_13 in 1 : vector<10000x128xf32>, vector<10000x128xf32> -> vector<10000x256xf32>
    %get3A_14 = arith.constant 0 : index
    %get3A_15 = arith.constant 0 : index
    %get3A_16 = vector.load %arg3[%get3A_14, %get3A_15] : memref<1x256xf32, #tpu.memory_space<vmem>>, vector<1x256xf32>
    %add3A_17 = vector.broadcast %get3A_16 : vector<1x256xf32> to vector<10000x256xf32>
    %add3A_18 = arith.addf %concatenate3A, %add3A_17 : vector<10000x256xf32>
    %max3A = arith.constant 0.000000e+00 : f32
    %max3A_19 = vector.broadcast %max3A : f32 to vector<10000x256xf32>
    %max3A_20 = arith.maximumf %add3A_18, %max3A_19 : vector<10000x256xf32>
    %get3A_21 = arith.constant 0 : index
    %get3A_22 = arith.constant 0 : index
    %get3A_23 = vector.load %arg4[%get3A_21, %get3A_22] : memref<256x256xf32, #tpu.memory_space<vmem>>, vector<256x256xf32>
    %dot_general3A = arith.constant dense<0.000000e+00> : vector<10000x256xf32>
    %dot_general3A_24 = tpu.matmul %get3A_1, %get3A_23, %dot_general3A {dimension_numbers = #tpu.dot_dimension_numbers<[1], [0], [0], [1], [0, 0, 1, 1], [], []>, transpose_lhs_hint = false} : vector<10000x256xf32>, vector<256x256xf32>, vector<10000x256xf32> -> vector<10000x256xf32>
    %get3A_25 = arith.constant 0 : index
    %get3A_26 = arith.constant 0 : index
    %get3A_27 = vector.load %arg5[%get3A_25, %get3A_26] : memref<1x256xf32, #tpu.memory_space<vmem>>, vector<1x256xf32>
    %add3A_28 = vector.broadcast %get3A_27 : vector<1x256xf32> to vector<10000x256xf32>
    %add3A_29 = arith.addf %dot_general3A_24, %add3A_28 : vector<10000x256xf32>
    %max3A_30 = arith.constant 0.000000e+00 : f32
    %max3A_31 = vector.broadcast %max3A_30 : f32 to vector<10000x256xf32>
    %max3A_32 = arith.maximumf %add3A_29, %max3A_31 : vector<10000x256xf32>
    %add3A_33 = arith.addf %max3A_20, %max3A_32 : vector<10000x256xf32>
    %reduce_sum3A = arith.constant dense<0.000000e+00> : vector<256xf32>
    %reduce_sum3A_34 = vector.multi_reduction <add>, %add3A_33, %reduce_sum3A [0] : vector<10000x256xf32> to vector<256xf32>
    %broadcast_in_dim3A = vector.shape_cast %reduce_sum3A_34 : vector<256xf32> to vector<1x256xf32>
    %div3A = arith.constant 1.000000e+04 : f32
    %div3A_35 = vector.broadcast %div3A : f32 to vector<1x256xf32>
    %div3A_36 = arith.divf %broadcast_in_dim3A, %div3A_35 : vector<1x256xf32>
    %sub3A = vector.broadcast %div3A_36 : vector<1x256xf32> to vector<10000x256xf32>
    %sub3A_37 = arith.subf %add3A_33, %sub3A : vector<10000x256xf32>
    %sub3A_38 = vector.broadcast %div3A_36 : vector<1x256xf32> to vector<10000x256xf32>
    %sub3A_39 = arith.subf %add3A_33, %sub3A_38 : vector<10000x256xf32>
    %mul3A = arith.mulf %sub3A_37, %sub3A_39 : vector<10000x256xf32>
    %reduce_sum3A_40 = arith.constant dense<0.000000e+00> : vector<256xf32>
    %reduce_sum3A_41 = vector.multi_reduction <add>, %mul3A, %reduce_sum3A_40 [0] : vector<10000x256xf32> to vector<256xf32>
    %broadcast_in_dim3A_42 = vector.shape_cast %reduce_sum3A_41 : vector<256xf32> to vector<1x256xf32>
    %div3A_43 = arith.constant 1.000000e+04 : f32
    %div3A_44 = vector.broadcast %div3A_43 : f32 to vector<1x256xf32>
    %div3A_45 = arith.divf %broadcast_in_dim3A_42, %div3A_44 : vector<1x256xf32>
    %sub3A_46 = vector.broadcast %div3A_36 : vector<1x256xf32> to vector<10000x256xf32>
    %sub3A_47 = arith.subf %add3A_33, %sub3A_46 : vector<10000x256xf32>
    %add3A_48 = arith.constant 9.99999974E-6 : f32
    %add3A_49 = vector.broadcast %add3A_48 : f32 to vector<1x256xf32>
    %add3A_50 = arith.addf %div3A_45, %add3A_49 : vector<1x256xf32>
    %sqrt3A = math.sqrt %add3A_50 : vector<1x256xf32>
    %div3A_51 = vector.broadcast %sqrt3A : vector<1x256xf32> to vector<10000x256xf32>
    %div3A_52 = arith.divf %sub3A_47, %div3A_51 : vector<10000x256xf32>
    %get3A_53 = arith.constant 0 : index
    %get3A_54 = arith.constant 0 : index
    %get3A_55 = vector.load %arg6[%get3A_53, %get3A_54] : memref<1x256xf32, #tpu.memory_space<vmem>>, vector<1x256xf32>
    %mul3A_56 = vector.broadcast %get3A_55 : vector<1x256xf32> to vector<10000x256xf32>
    %mul3A_57 = arith.mulf %div3A_52, %mul3A_56 : vector<10000x256xf32>
    %get3A_58 = arith.constant 0 : index
    %get3A_59 = arith.constant 0 : index
    %get3A_60 = vector.load %arg7[%get3A_58, %get3A_59] : memref<1x256xf32, #tpu.memory_space<vmem>>, vector<1x256xf32>
    %add3A_61 = vector.broadcast %get3A_60 : vector<1x256xf32> to vector<10000x256xf32>
    %add3A_62 = arith.addf %mul3A_57, %add3A_61 : vector<10000x256xf32>
    %get3A_63 = arith.constant 0 : index
    %get3A_64 = arith.constant 0 : index
    %get3A_65 = vector.load %arg8[%get3A_63, %get3A_64] : memref<1x256xf32, #tpu.memory_space<vmem>>, vector<1x256xf32>
    %mul3A_66 = vector.broadcast %get3A_65 : vector<1x256xf32> to vector<10000x256xf32>
    %mul3A_67 = arith.mulf %add3A_62, %mul3A_66 : vector<10000x256xf32>
    %reduce_sum3A_68 = arith.constant dense<0.000000e+00> : vector<10000xf32>
    %reduce_sum3A_69 = vector.multi_reduction <add>, %mul3A_67, %reduce_sum3A_68 [1] : vector<10000x256xf32> to vector<10000xf32>
    %broadcast_in_dim3A_70 = vector.shape_cast %reduce_sum3A_69 : vector<10000xf32> to vector<10000x1xf32>
    %get3A_71 = arith.constant 0 : index
    %get3A_72 = arith.constant 0 : index
    %get3A_73 = vector.load %arg9[%get3A_71, %get3A_72] : memref<1x1xf32, #tpu.memory_space<vmem>>, vector<1x1xf32>
    %add3A_74 = vector.broadcast %get3A_73 : vector<1x1xf32> to vector<10000x1xf32>
    %add3A_75 = arith.addf %broadcast_in_dim3A_70, %add3A_74 : vector<10000x1xf32>
    %neg3A = arith.constant 0.000000e+00 : f32
    %neg3A_76 = vector.broadcast %neg3A : f32 to vector<10000x1xf32>
    %neg3A_77 = arith.subf %neg3A_76, %add3A_75 : vector<10000x1xf32>
    %exp3A = math.exp %neg3A_77 : vector<10000x1xf32>
    %add3A_78 = arith.constant 1.000000e+00 : f32
    %add3A_79 = vector.broadcast %add3A_78 : f32 to vector<10000x1xf32>
    %add3A_80 = arith.addf %add3A_79, %exp3A : vector<10000x1xf32>
    %div3A_81 = arith.constant 1.000000e+00 : f32
    %div3A_82 = vector.broadcast %div3A_81 : f32 to vector<10000x1xf32>
    %div3A_83 = arith.divf %div3A_82, %add3A_80 : vector<10000x1xf32>
    %mul3A_84 = vector.broadcast %div3A_83 : vector<10000x1xf32> to vector<10000x256xf32>
    %mul3A_85 = arith.mulf %add3A_62, %mul3A_84 : vector<10000x256xf32>
    %iota3A = tpu.iota {dimensions = array<i32: 0>} : vector<256x10000xi32>
    %get3A_86 = arith.constant 0 : index
    %get3A_87 = arith.constant 0 : index
    %get3A_88 = vector.load %arg2[%get3A_86, %get3A_87] : memref<1x10000xi32, #tpu.memory_space<vmem>>, vector<1x10000xi32>
    %eq3A = vector.broadcast %get3A_88 : vector<1x10000xi32> to vector<256x10000xi32>
    %eq3A_89 = arith.cmpi eq, %iota3A, %eq3A : vector<256x10000xi32>
    %convert_element_type3A = arith.extui %eq3A_89 : vector<256x10000xi1> to vector<256x10000xi32>
    %convert_element_type3A_90 = arith.sitofp %convert_element_type3A : vector<256x10000xi32> to vector<256x10000xf32>
    %dot_general3A_91 = arith.constant dense<0.000000e+00> : vector<256x256xf32>
    %dot_general3A_92 = tpu.matmul %convert_element_type3A_90, %mul3A_85, %dot_general3A_91 {dimension_numbers = #tpu.dot_dimension_numbers<[1], [0], [0], [1], [0, 0, 1, 1], [], []>, transpose_lhs_hint = false} : vector<256x10000xf32>, vector<10000x256xf32>, vector<256x256xf32> -> vector<256x256xf32>
    %get3A_93 = arith.constant 0 : index
    %get3A_94 = arith.constant 0 : index
    %get3A_95 = vector.load %arg10[%get3A_93, %get3A_94] : memref<256x128xf32, #tpu.memory_space<vmem>>, vector<256x128xf32>
    %dot_general3A_96 = arith.constant dense<0.000000e+00> : vector<256x128xf32>
    %dot_general3A_97 = tpu.matmul %dot_general3A_92, %get3A_95, %dot_general3A_96 {dimension_numbers = #tpu.dot_dimension_numbers<[1], [0], [0], [1], [0, 0, 1, 1], [], []>, transpose_lhs_hint = false} : vector<256x256xf32>, vector<256x128xf32>, vector<256x128xf32> -> vector<256x128xf32>
    %get3A_98 = arith.constant 0 : index
    %get3A_99 = arith.constant 0 : index
    %get3A_100 = vector.load %arg11[%get3A_98, %get3A_99] : memref<1x128xf32, #tpu.memory_space<vmem>>, vector<1x128xf32>
    %add3A_101 = vector.broadcast %get3A_100 : vector<1x128xf32> to vector<256x128xf32>
    %add3A_102 = arith.addf %dot_general3A_97, %add3A_101 : vector<256x128xf32>
    %max3A_103 = arith.constant 0.000000e+00 : f32
    %max3A_104 = vector.broadcast %max3A_103 : f32 to vector<256x128xf32>
    %max3A_105 = arith.maximumf %add3A_102, %max3A_104 : vector<256x128xf32>
    %reduce_sum3A_106 = arith.constant dense<0.000000e+00> : vector<128xf32>
    %reduce_sum3A_107 = vector.multi_reduction <add>, %max3A_105, %reduce_sum3A_106 [0] : vector<256x128xf32> to vector<128xf32>
    %broadcast_in_dim3A_108 = vector.shape_cast %reduce_sum3A_107 : vector<128xf32> to vector<1x128xf32>
    %div3A_109 = arith.constant 2.560000e+02 : f32
    %div3A_110 = vector.broadcast %div3A_109 : f32 to vector<1x128xf32>
    %div3A_111 = arith.divf %broadcast_in_dim3A_108, %div3A_110 : vector<1x128xf32>
    %sub3A_112 = vector.broadcast %div3A_111 : vector<1x128xf32> to vector<256x128xf32>
    %sub3A_113 = arith.subf %max3A_105, %sub3A_112 : vector<256x128xf32>
    %sub3A_114 = vector.broadcast %div3A_111 : vector<1x128xf32> to vector<256x128xf32>
    %sub3A_115 = arith.subf %max3A_105, %sub3A_114 : vector<256x128xf32>
    %mul3A_116 = arith.mulf %sub3A_113, %sub3A_115 : vector<256x128xf32>
    %reduce_sum3A_117 = arith.constant dense<0.000000e+00> : vector<128xf32>
    %reduce_sum3A_118 = vector.multi_reduction <add>, %mul3A_116, %reduce_sum3A_117 [0] : vector<256x128xf32> to vector<128xf32>
    %broadcast_in_dim3A_119 = vector.shape_cast %reduce_sum3A_118 : vector<128xf32> to vector<1x128xf32>
    %div3A_120 = arith.constant 2.560000e+02 : f32
    %div3A_121 = vector.broadcast %div3A_120 : f32 to vector<1x128xf32>
    %div3A_122 = arith.divf %broadcast_in_dim3A_119, %div3A_121 : vector<1x128xf32>
    %sub3A_123 = vector.broadcast %div3A_111 : vector<1x128xf32> to vector<256x128xf32>
    %sub3A_124 = arith.subf %max3A_105, %sub3A_123 : vector<256x128xf32>
    %add3A_125 = arith.constant 9.99999974E-6 : f32
    %add3A_126 = vector.broadcast %add3A_125 : f32 to vector<1x128xf32>
    %add3A_127 = arith.addf %div3A_122, %add3A_126 : vector<1x128xf32>
    %sqrt3A_128 = math.sqrt %add3A_127 : vector<1x128xf32>
    %div3A_129 = vector.broadcast %sqrt3A_128 : vector<1x128xf32> to vector<256x128xf32>
    %div3A_130 = arith.divf %sub3A_124, %div3A_129 : vector<256x128xf32>
    %get3A_131 = arith.constant 0 : index
    %get3A_132 = arith.constant 0 : index
    %get3A_133 = vector.load %arg12[%get3A_131, %get3A_132] : memref<1x128xf32, #tpu.memory_space<vmem>>, vector<1x128xf32>
    %mul3A_134 = vector.broadcast %get3A_133 : vector<1x128xf32> to vector<256x128xf32>
    %mul3A_135 = arith.mulf %div3A_130, %mul3A_134 : vector<256x128xf32>
    %get3A_136 = arith.constant 0 : index
    %get3A_137 = arith.constant 0 : index
    %get3A_138 = vector.load %arg13[%get3A_136, %get3A_137] : memref<1x128xf32, #tpu.memory_space<vmem>>, vector<1x128xf32>
    %add3A_139 = vector.broadcast %get3A_138 : vector<1x128xf32> to vector<256x128xf32>
    %add3A_140 = arith.addf %mul3A_135, %add3A_139 : vector<256x128xf32>
    %get3A_141 = arith.constant 0 : index
    %get3A_142 = arith.constant 0 : index
    %get3A_143 = vector.load %arg14[%get3A_141, %get3A_142] : memref<128x128xf32, #tpu.memory_space<vmem>>, vector<128x128xf32>
    %dot_general3A_144 = arith.constant dense<0.000000e+00> : vector<256x128xf32>
    %dot_general3A_145 = tpu.matmul %add3A_140, %get3A_143, %dot_general3A_144 {dimension_numbers = #tpu.dot_dimension_numbers<[1], [0], [0], [1], [0, 0, 1, 1], [], []>, transpose_lhs_hint = false} : vector<256x128xf32>, vector<128x128xf32>, vector<256x128xf32> -> vector<256x128xf32>
    %get3A_146 = arith.constant 0 : index
    %get3A_147 = arith.constant 0 : index
    %get3A_148 = vector.load %arg15[%get3A_146, %get3A_147] : memref<1x128xf32, #tpu.memory_space<vmem>>, vector<1x128xf32>
    %add3A_149 = vector.broadcast %get3A_148 : vector<1x128xf32> to vector<256x128xf32>
    %add3A_150 = arith.addf %dot_general3A_145, %add3A_149 : vector<256x128xf32>
    %max3A_151 = arith.constant 0.000000e+00 : f32
    %max3A_152 = vector.broadcast %max3A_151 : f32 to vector<256x128xf32>
    %max3A_153 = arith.maximumf %add3A_150, %max3A_152 : vector<256x128xf32>
    %reduce_sum3A_154 = arith.constant dense<0.000000e+00> : vector<128xf32>
    %reduce_sum3A_155 = vector.multi_reduction <add>, %max3A_153, %reduce_sum3A_154 [0] : vector<256x128xf32> to vector<128xf32>
    %broadcast_in_dim3A_156 = vector.shape_cast %reduce_sum3A_155 : vector<128xf32> to vector<1x128xf32>
    %div3A_157 = arith.constant 2.560000e+02 : f32
    %div3A_158 = vector.broadcast %div3A_157 : f32 to vector<1x128xf32>
    %div3A_159 = arith.divf %broadcast_in_dim3A_156, %div3A_158 : vector<1x128xf32>
    %sub3A_160 = vector.broadcast %div3A_159 : vector<1x128xf32> to vector<256x128xf32>
    %sub3A_161 = arith.subf %max3A_153, %sub3A_160 : vector<256x128xf32>
    %sub3A_162 = vector.broadcast %div3A_159 : vector<1x128xf32> to vector<256x128xf32>
    %sub3A_163 = arith.subf %max3A_153, %sub3A_162 : vector<256x128xf32>
    %mul3A_164 = arith.mulf %sub3A_161, %sub3A_163 : vector<256x128xf32>
    %reduce_sum3A_165 = arith.constant dense<0.000000e+00> : vector<128xf32>
    %reduce_sum3A_166 = vector.multi_reduction <add>, %mul3A_164, %reduce_sum3A_165 [0] : vector<256x128xf32> to vector<128xf32>
    %broadcast_in_dim3A_167 = vector.shape_cast %reduce_sum3A_166 : vector<128xf32> to vector<1x128xf32>
    %div3A_168 = arith.constant 2.560000e+02 : f32
    %div3A_169 = vector.broadcast %div3A_168 : f32 to vector<1x128xf32>
    %div3A_170 = arith.divf %broadcast_in_dim3A_167, %div3A_169 : vector<1x128xf32>
    %sub3A_171 = vector.broadcast %div3A_159 : vector<1x128xf32> to vector<256x128xf32>
    %sub3A_172 = arith.subf %max3A_153, %sub3A_171 : vector<256x128xf32>
    %add3A_173 = arith.constant 9.99999974E-6 : f32
    %add3A_174 = vector.broadcast %add3A_173 : f32 to vector<1x128xf32>
    %add3A_175 = arith.addf %div3A_170, %add3A_174 : vector<1x128xf32>
    %sqrt3A_176 = math.sqrt %add3A_175 : vector<1x128xf32>
    %div3A_177 = vector.broadcast %sqrt3A_176 : vector<1x128xf32> to vector<256x128xf32>
    %div3A_178 = arith.divf %sub3A_172, %div3A_177 : vector<256x128xf32>
    %get3A_179 = arith.constant 0 : index
    %get3A_180 = arith.constant 0 : index
    %get3A_181 = vector.load %arg16[%get3A_179, %get3A_180] : memref<1x128xf32, #tpu.memory_space<vmem>>, vector<1x128xf32>
    %mul3A_182 = vector.broadcast %get3A_181 : vector<1x128xf32> to vector<256x128xf32>
    %mul3A_183 = arith.mulf %div3A_178, %mul3A_182 : vector<256x128xf32>
    %get3A_184 = arith.constant 0 : index
    %get3A_185 = arith.constant 0 : index
    %get3A_186 = vector.load %arg17[%get3A_184, %get3A_185] : memref<1x128xf32, #tpu.memory_space<vmem>>, vector<1x128xf32>
    %add3A_187 = vector.broadcast %get3A_186 : vector<1x128xf32> to vector<256x128xf32>
    %add3A_188 = arith.addf %mul3A_183, %add3A_187 : vector<256x128xf32>
    %get3A_189 = arith.constant 0 : index
    %get3A_190 = arith.constant 0 : index
    %get3A_191 = vector.load %arg18[%get3A_189, %get3A_190] : memref<128x128xf32, #tpu.memory_space<vmem>>, vector<128x128xf32>
    %dot_general3A_192 = arith.constant dense<0.000000e+00> : vector<256x128xf32>
    %dot_general3A_193 = tpu.matmul %add3A_188, %get3A_191, %dot_general3A_192 {dimension_numbers = #tpu.dot_dimension_numbers<[1], [0], [0], [1], [0, 0, 1, 1], [], []>, transpose_lhs_hint = false} : vector<256x128xf32>, vector<128x128xf32>, vector<256x128xf32> -> vector<256x128xf32>
    %get3A_194 = arith.constant 0 : index
    %get3A_195 = arith.constant 0 : index
    %get3A_196 = vector.load %arg19[%get3A_194, %get3A_195] : memref<1x128xf32, #tpu.memory_space<vmem>>, vector<1x128xf32>
    %add3A_197 = vector.broadcast %get3A_196 : vector<1x128xf32> to vector<256x128xf32>
    %add3A_198 = arith.addf %dot_general3A_193, %add3A_197 : vector<256x128xf32>
    %max3A_199 = arith.constant 0.000000e+00 : f32
    %max3A_200 = vector.broadcast %max3A_199 : f32 to vector<256x128xf32>
    %max3A_201 = arith.maximumf %add3A_198, %max3A_200 : vector<256x128xf32>
    %reduce_sum3A_202 = arith.constant dense<0.000000e+00> : vector<128xf32>
    %reduce_sum3A_203 = vector.multi_reduction <add>, %max3A_201, %reduce_sum3A_202 [0] : vector<256x128xf32> to vector<128xf32>
    %broadcast_in_dim3A_204 = vector.shape_cast %reduce_sum3A_203 : vector<128xf32> to vector<1x128xf32>
    %div3A_205 = arith.constant 2.560000e+02 : f32
    %div3A_206 = vector.broadcast %div3A_205 : f32 to vector<1x128xf32>
    %div3A_207 = arith.divf %broadcast_in_dim3A_204, %div3A_206 : vector<1x128xf32>
    %sub3A_208 = vector.broadcast %div3A_207 : vector<1x128xf32> to vector<256x128xf32>
    %sub3A_209 = arith.subf %max3A_201, %sub3A_208 : vector<256x128xf32>
    %sub3A_210 = vector.broadcast %div3A_207 : vector<1x128xf32> to vector<256x128xf32>
    %sub3A_211 = arith.subf %max3A_201, %sub3A_210 : vector<256x128xf32>
    %mul3A_212 = arith.mulf %sub3A_209, %sub3A_211 : vector<256x128xf32>
    %reduce_sum3A_213 = arith.constant dense<0.000000e+00> : vector<128xf32>
    %reduce_sum3A_214 = vector.multi_reduction <add>, %mul3A_212, %reduce_sum3A_213 [0] : vector<256x128xf32> to vector<128xf32>
    %broadcast_in_dim3A_215 = vector.shape_cast %reduce_sum3A_214 : vector<128xf32> to vector<1x128xf32>
    %div3A_216 = arith.constant 2.560000e+02 : f32
    %div3A_217 = vector.broadcast %div3A_216 : f32 to vector<1x128xf32>
    %div3A_218 = arith.divf %broadcast_in_dim3A_215, %div3A_217 : vector<1x128xf32>
    %sub3A_219 = vector.broadcast %div3A_207 : vector<1x128xf32> to vector<256x128xf32>
    %sub3A_220 = arith.subf %max3A_201, %sub3A_219 : vector<256x128xf32>
    %add3A_221 = arith.constant 9.99999974E-6 : f32
    %add3A_222 = vector.broadcast %add3A_221 : f32 to vector<1x128xf32>
    %add3A_223 = arith.addf %div3A_218, %add3A_222 : vector<1x128xf32>
    %sqrt3A_224 = math.sqrt %add3A_223 : vector<1x128xf32>
    %div3A_225 = vector.broadcast %sqrt3A_224 : vector<1x128xf32> to vector<256x128xf32>
    %div3A_226 = arith.divf %sub3A_220, %div3A_225 : vector<256x128xf32>
    %get3A_227 = arith.constant 0 : index
    %get3A_228 = arith.constant 0 : index
    %get3A_229 = vector.load %arg20[%get3A_227, %get3A_228] : memref<1x128xf32, #tpu.memory_space<vmem>>, vector<1x128xf32>
    %mul3A_230 = vector.broadcast %get3A_229 : vector<1x128xf32> to vector<256x128xf32>
    %mul3A_231 = arith.mulf %div3A_226, %mul3A_230 : vector<256x128xf32>
    %get3A_232 = arith.constant 0 : index
    %get3A_233 = arith.constant 0 : index
    %get3A_234 = vector.load %arg21[%get3A_232, %get3A_233] : memref<1x128xf32, #tpu.memory_space<vmem>>, vector<1x128xf32>
    %add3A_235 = vector.broadcast %get3A_234 : vector<1x128xf32> to vector<256x128xf32>
    %add3A_236 = arith.addf %mul3A_231, %add3A_235 : vector<256x128xf32>
    %get3A_237 = arith.constant 0 : index
    %get3A_238 = arith.constant 0 : index
    %get3A_239 = vector.load %arg22[%get3A_237, %get3A_238] : memref<128x1xf32, #tpu.memory_space<vmem>>, vector<128x1xf32>
    %dot_general3A_240 = arith.constant dense<0.000000e+00> : vector<256x1xf32>
    %dot_general3A_241 = tpu.matmul %add3A_236, %get3A_239, %dot_general3A_240 {dimension_numbers = #tpu.dot_dimension_numbers<[1], [0], [0], [1], [0, 0, 1, 1], [], []>, transpose_lhs_hint = false} : vector<256x128xf32>, vector<128x1xf32>, vector<256x1xf32> -> vector<256x1xf32>
    %get3A_242 = arith.constant 0 : index
    %get3A_243 = arith.constant 0 : index
    %get3A_244 = vector.load %arg23[%get3A_242, %get3A_243] : memref<1x1xf32, #tpu.memory_space<vmem>>, vector<1x1xf32>
    %add3A_245 = vector.broadcast %get3A_244 : vector<1x1xf32> to vector<256x1xf32>
    %add3A_246 = arith.addf %dot_general3A_241, %add3A_245 : vector<256x1xf32>
    %swap3A = arith.constant 0 : index
    %swap3A_247 = arith.constant 0 : index
    %swap3A_248 = vector.load %arg24[%swap3A, %swap3A_247] : memref<256x1xf32, #tpu.memory_space<vmem>>, vector<256x1xf32>
    tpu.vector_store %arg24[%swap3A, %swap3A_247], %add3A_246 {strides = array<i32>} : memref<256x1xf32, #tpu.memory_space<vmem>>, vector<256x1xf32>,
    return
  }
}

</mosaic_0001>

<sc_bundles>
// kernel: kernel.6.cloned.1.call-start
scs
__scs_entry_jumppad:
0x0: {  	(pc) =	sbr.rel $0x88, $3  }
0x1: {  	(tag) =	ssettag $0x0;
	lr =	simm.s32 $0x1  }
0x2: {  	[smem:$0x3F87] =	sst lr;
	_ =	strace $0xD0000000  }
0x3: {  	_ = 	snop  }
0x4: {  	_ = 	snop  }
0x5: {  	_ = 	snop  }
0x6: {  	_ = 	snop  }
0x7: {  	_ = 	snop  }
__scs_overlays_trampoline_lowered:
0x8: {  	[smem:$0x3F96] =	sst s0  }
0x9: {  	[smem:$0x3F97] =	sst s1  }
0xa: {  	[smem:$0x3F98] =	sst s2  }
0xb: {  	[smem:$0x3F99] =	sst s3  }
0xc: {  	[smem:$0x3F9A] =	sst s4  }
0xd: {  	[smem:$0x3F9B] =	sst s5  }
0xe: {  	[smem:$0x3F9C] =	sst s6  }
0xf: {  	[smem:$0x3F9D] =	sst s7  }
0x10: {  	[smem:$0x3F9E] =	sst s8  }
0x11: {  	[smem:$0x3F9F] =	sst s9;
	s0 =	simm.s32 @!p0 $0x0  }
0x12: {  	s1 =	sld [smem:$0x3F85];
	s0 =	simm.s32 @p0 $0x1  }
0x13: {  	[smem:$0x3FA0] =	sst s0;
	s0 =	simm.s32 @!p1 $0x0  }
0x14: {  	s2 =	sld [smem:$0x3F84];
	s0 =	simm.s32 @p1 $0x1  }
0x15: {  	[smem:$0x3FA1] =	sst s0;
	s0 =	simm.s32 @!p2 $0x0  }
0x16: {  	s3 =	sld [smem:$0x3FDB];
	s0 =	simm.s32 @p2 $0x1  }
0x17: {  	s4 =	simm.s32 $0x1BF5;
	[smem:$0x3FA3] =	sst s0  }
0x18: {  	s0 =	sld [smem:$0x3F86];
	_ =	swait.ge [sflag:s4], $0x0  }
0x19: {  	s7 =	sld [smem:$0x3F87]  }
0x1a: {  	s8 =	sadd.s32 $0xFFFFE003, lr  }
0x1b: {  	s9 =	sadd.s32 $0xFFFFFEF7, lr;
	s5 =	simm.s32 $0xFFFFFFFF;
	p2 =	slt.u32 s8, $0xFFFFF086  }
0x1c: {  	p1 =	slt.u32 s9, $0xF7A;
	s5 =	simm.s32 @!p2 $0x0  }
0x1d: {  	s5 =	simm.s32 @p1 $0x1;
	p0 =	seq.s32 s7, s2  }
0x1e: {  	s7 =	smul.u32 @!p0 $0xF7A, s2;
	p2 =	seq.s32 @!p0 s5, $0x0  }
0x1f: {  	s9 =	smul.u32 $0xF7A, s1;
	s8 =	simm.s32 @!p0 $0x1BF5;
	p2 =	por !p2, p0  }
0x20: {  	[sflag:s8] =	ssyncset.s32 @!p0 $0xFFFFF086;
	s6 =	sadd.s32 @!p0 s3, s7;
	s7 =	simm.s32 @!p0 $0x108  }
0x21: {  	s3 =	sadd.s32 s3, s9;
	s6 =	sadd.s32 @!p0 $0x88, s6;
	s7 =	simm.s32 @p2 $0x1082  }
0x22: {  	[simem:s7], [sflag:s8] =	dma.local @!p0 [hbm:s6], $0xF7A  }
0x23: {  	s9 =	sor.u32 $0xD0000000, s2;
	s6 =	simm.s32 $0x108;
	_ =	swait.ge @!p0 [sflag:s8], $0x0  }
0x24: {  	s3 =	sadd.s32 $0x88, s3;
	s6 =	simm.s32 @!p1 $0x1082;
	[sflag:s4] =	ssyncset.s32 $0xFFFFF086  }
0x25: {  	[simem:s6], [sflag:s4] =	dma.local [hbm:s3], $0xF7A  }
0x26: {  	[smem:$0x3F87] =	sst s1;
	(tag) =	ssettag s2;
	_ =	strace s9  }
0x27: {  	s1 =	sld [smem:$0x3F97]  }
0x28: {  	s2 =	sld [smem:$0x3F98]  }
0x29: {  	s4 =	sld [smem:$0x3F9A]  }
0x2a: {  	p0 =	seq.s32 s5, $0x0;
	s5 =	sld [smem:$0x3F9B]  }
0x2b: {  	s6 =	sld [smem:$0x3F9C]  }
0x2c: {  	s7 =	sld [smem:$0x3F9D]  }
0x2d: {  	s3 =	simm.s32 $0x108;
	s8 =	sld [smem:$0x3F9E]  }
0x2e: {  	s3 =	simm.s32 @!p0 $0x1082;
	s9 =	sld [smem:$0x3F9F]  }
0x2f: {  	lr =	sadd.s32 s0, s3;
	s0 =	sld [smem:$0x3F96]  }
0x30: {  	s3 =	sld [smem:$0x3F99]  }
0x31: {  	[smem:$0x3FA2] =	sst s10  }
0x32: {  	s10 =	sld [smem:$0x3FA0];
	_ =	sdelay $0x3  }
0x33: {  	p0 =	seq.s32 s10, $0x1;
	s10 =	sld [smem:$0x3FA2];
	_ =	sdelay $0x3  }
0x34: {  	[smem:$0x3FA2] =	sst s10  }
0x35: {  	s10 =	sld [smem:$0x3FA1];
	_ =	sdelay $0x3  }
0x36: {  	p1 =	seq.s32 s10, $0x1;
	s10 =	sld [smem:$0x3FA2];
	_ =	sdelay $0x3  }
0x37: {  	[smem:$0x3FA2] =	sst s10  }
0x38: {  	s10 =	sld [smem:$0x3FA3]  }
0x39: {  	_ = 	snop;
	(pc) =	sbr.ind lr, $3  }
0x3a: {  	_ = 	snop  }
0x3b: {  	_ = 	snop  }
0x3c: {  	p2 =	seq.s32 s10, $0x1;
	s10 =	sld [smem:$0x3FA2]  }
0x3d: {  	_ =	shalt  }
0x3e: {  	_ =	shalt  }
0x3f: {  	_ =	shalt  }
0x40: {  	_ =	shalt  }
0x41: {  	_ =	shalt  }
0x42: {  	_ =	shalt  }
0x43: {  	_ =	shalt  }
0x44: {  	_ =	shalt  }
0x45: {  	_ =	shalt  }
0x46: {  	_ =	shalt  }
0x47: {  	_ =	shalt  }
0x48: {  	_ =	shalt  }
0x49: {  	_ =	shalt  }
0x4a: {  	_ =	shalt  }
0x4b: {  	_ =	shalt  }
0x4c: {  	_ =	shalt  }
0x4d: {  	_ =	shalt  }
0x4e: {  	_ =	shalt  }
0x4f: {  	_ =	shalt  }
0x50: {  	_ =	shalt  }
0x51: {  	_ =	shalt  }
0x52: {  	_ =	shalt  }
0x53: {  	_ =	shalt  }
0x54: {  	_ =	shalt  }
0x55: {  	_ =	shalt  }
0x56: {  	_ =	shalt  }
0x57: {  	_ =	shalt  }
0x58: {  	_ =	shalt  }
0x59: {  	_ =	shalt  }
0x5a: {  	_ =	shalt  }
0x5b: {  	_ =	shalt  }
0x5c: {  	_ =	shalt  }
0x5d: {  	_ =	shalt  }
0x5e: {  	_ =	shalt  }
0x5f: {  	_ =	shalt  }
0x60: {  	_ =	shalt  }
0x61: {  	_ =	shalt  }
0x62: {  	_ =	shalt  }
0x63: {  	_ =	shalt  }
0x64: {  	_ =	shalt  }
0x65: {  	_ =	shalt  }
0x66: {  	_ =	shalt  }
0x67: {  	_ =	shalt  }
0x68: {  	_ =	shalt  }
0x69: {  	_ =	shalt  }
0x6a: {  	_ =	shalt  }
0x6b: {  	_ =	shalt  }
0x6c: {  	_ =	shalt  }
0x6d: {  	_ =	shalt  }
0x6e: {  	_ =	shalt  }
0x6f: {  	_ =	shalt  }
0x70: {  	_ =	shalt  }
0x71: {  	_ =	shalt  }
0x72: {  	_ =	shalt  }
0x73: {  	_ =	shalt  }
0x74: {  	_ =	shalt  }
0x75: {  	_ =	shalt  }
0x76: {  	_ =	shalt  }
0x77: {  	_ =	shalt  }
0x78: {  	_ =	shalt  }
0x79: {  	_ =	shalt  }
0x7a: {  	_ =	shalt  }
0x7b: {  	_ =	shalt  }
0x7c: {  	_ =	shalt  }
0x7d: {  	_ =	shalt  }
0x7e: {  	_ =	shalt  }
0x7f: {  	_ =	shalt  }
0x80: {  	_ =	shalt  }
0x81: {  	_ =	shalt  }
0x82: {  	_ =	shalt  }
0x83: {  	_ =	shalt  }
0x84: {  	_ =	shalt  }
0x85: {  	_ =	shalt  }
0x86: {  	_ =	shalt  }
0x87: {  	_ =	shalt  }
.Lfunc_end0:
.L_simem_size_0:
called_computation_lowered:
.L_overlay_start_0:
0x88: {  	s2 =	sld [smem:$0x3FD9]  }
0x89: {  	s3 =	sld [smem:$0x3FFE];
	_ =	sdelay $0x1  }
0x8a: {  	s1 =	srdreg.scid  }
0x8b: {  	s0 =	sand.u32 $0x1, s1  }
0x8c: {  	s16 =	sshll.u32 s0, $0xA;
	s2 =	sadd.s32 s3, s2  }
0x8d: {  	s2 =	sadd.s32 s2, s16  }
0x8e: {  	[smem:$0x3FAE] =	sst s2  }
0x8f: {  	_ = 	snop  }
0x90: {  	(tm) =	ssettm $0x1  }
0x91: {  	s17 =	sld [smem:$0x3FFB];
	_ =	sdelay $0x3  }
0x92: {  	_ =	strace s17  }
0x93: {  	s2 =	sld [smem:$0x3FFC];
	_ =	sdelay $0x3  }
0x94: {  	_ =	strace s2  }
0x95: {  	s2 =	sld [smem:$0x3FFD];
	_ =	sdelay $0x3  }
0x96: {  	_ =	strace s2  }
0x97: {  	_ =	strace $0x8FFFFFFF  }
0x98: {  	s18 =	sld [smem:$0x3FDB];
	_ =	sdelay $0x1  }
0x99: {  	s19 =	simm.s32 $_scs_section_size  }
0x9a: {  	s4 =	simm.s32 $_size__tile_overlayer_lowered;
	s5 =	simm.s32 $_tile_overlayer_lowered  }
0x9b: {  	s22 =	simm.s32 $0x1BFF;
	s21 =	sshll.u32 s5, $0x1;
	s2 =	sadd.s32 s19, s18  }
0x9c: {  	s6 =	simm.s32 $0x0;
	s20 =	sshll.u32 s4, $0x1;
	s4 =	sadd.s32 s21, s2  }
0x9d: {  	[timem:s6], [sflag:s22] =	dma.local [hbm:s4], s20  }
0x9e: {  	_ =	swait.ge [sflag:s22], s20  }
0x9f: {  	s3 =	ssub.s32 $0x0, s20;
	[sflag:s22] =	ssyncset.done $0x0  }
0xa0: {  	[sflag:s22] =	ssyncadd.s32 s3;
	_ =	sdelay $0x1  }
0xa1: {  	s23 =	simm.s32 $0x1B8B  }
0xa2: {  	_ =	swait.ge [sflag:s23], $0x1  }
0xa3: {  	[sflag:s23] =	ssyncset.done $0x0  }
0xa4: {  	s25 =	simm.s32 $0x1B8E;
	s24 =	sld [smem:$0x3FFE];
	[sflag:s23] =	ssyncadd.s32 $0xFFFFFFFF  }
0xa5: {  	s26 =	simm.s32 $execute0_lowered;
	[smem:$0x3FD2] =	sst s25  }
0xa6: {  	s4 =	sshll.u32 s26, $0x1;
	_ =	strace $0x80000046;
	[dreg:$0x1] =	wrdreg $0xFFFFFFFF  }
0xa7: {  	s28 =	simm.s32 $_size_execute0_lowered;
	s2 =	sadd.s32 s2, s4;
	[dreg:$0x0] =	wrdreg $0x0  }
0xa8: {  	s4 =	sshll.u32 s28, $0x1;
	[dreg:$0x2] =	wrdreg s2  }
0xa9: {  	[dreg:$0x3] =	wrdreg s4  }
0xaa: {  	[dreg:$0x4] =	wrdreg $0xC0  }
0xab: {  	_ =	task [dreg:s6], $0x5FFFF  }
0xac: {  	[dreg:$0x1] =	wrdreg $0xFFFFFFFF  }
0xad: {  	[dreg:$0x0] =	wrdreg $0x60  }
0xae: {  	[dreg:$0x2] =	wrdreg s24  }
0xaf: {  	[dreg:$0x3] =	wrdreg $0xC0000  }
0xb0: {  	[dreg:$0x4] =	wrdreg $0x9  }
0xb1: {  	_ =	task.clear_ibuf [dreg:s6], $0x5FFFF;
	_ =	strace $0x90000046  }
0xb2: {  	s29 =	simm.s32 $0x9;
	_ =	strace $0x80000048  }
0xb3: {  	_ =	swait.ge [sflag:s29], $0x1  }
0xb4: {  	[sflag:s29] =	ssyncadd.s32 $0xFFFFFFFF  }
0xb5: {  	_ =	strace $0x90000048  }
0xb6: {  	_ =	sfence  }
0xb7: {  	s30 =	sld [smem:$0x0];
	_ =	sdelay $0x2  }
0xb8: {  	s31 =	sshll.u32 s1, $0xD;
	s1 =	sshrl.u32 s1, $0x2  }
0xb9: {  	s3 =	sand.u32 $0x4000, s31;
	s1 =	sadd.s32 s1, s30  }
0xba: {  	s0 =	sor.u32 s3, s0;
	s1 =	sshll.u32 s1, $0x11  }
0xbb: {  	s0 =	sor.u32 s1, s0  }
0xbc: {  	s0 =	sadd.s32 $0x8F2B, s0  }
0xbd: {  	[sflag:s0] =	ssyncadd.remote.s32 $0x1  }
0xbe: {  	_ =	sfence.sel $0xFFFF  }
0xbf: {  	[dreg:$0x0] =	wrdreg $0xFFFFFFFF;
	(pc) =	sbr.abs _section_cstart, $3  }
0xc0: {  	[dreg:$0x1] =	wrdreg $0xFFFFFFFF  }
0xc1: {  	_ =	task.clear_ibuf [dreg:s6], $0x2FFFF;
	_ =	strace $0x9FFFFFFF  }
0xc2: {  	(tm) =	ssettm $0x7FFFFFFF  }
0xc3: {  	_ =	shalt  }
tec
execute0_lowered:
.L_overlay_start_1:
0x0: {  	(tag) =	ssettag $0x1  }
0x1: {  	s0 =	rddreg [dreg:$0x0]  }
0x2: {  	s1 =	rddreg [dreg:$0x1];
	s2 =	simm.s32 $0x0  }
0x3: {  	s24 =	srdreg.scid;
	s17 =	stileid.u32;
	s16 =	simm.s32 $0x4  }
0x4: {  	s18 =	simm.s32 $0xB800;
	s19 =	simm.s32 $0x50;
	s20 =	simm.s32 $0x4000  }
0x5: {  	s21 =	simm.s32 $0x80;
	s22 =	simm.s32 $0x6800;
	s23 =	simm.s32 $0x3  }
0x6: {  	s28 =	simm.s32 $0x0;
	[smem:$0x7FF] =	sst s2;
	s2 =	sand.u32 $0x1, s24  }
0x7: {  	s4 =	sadd.s32 $0x12E00, s0;
	s5 =	sadd.s32 $0x283E00, s0;
	s8 =	smul.u32 $0x270, s17  }
0x8: {  	s6 =	sshll.u32 s17, $0xA;
	s9 =	smul.u32 $0x4E000, s17;
	s11 =	sadd.s32 $0x138800, s1  }
0x9: {  	p0 =	sne.s32 s17, $0xF;
	s24 =	simm.s32 $0x9000;
	_ =	strace $0x80000047  }
0xa: {  	s3 =	sshll.u32 s2, $0xE;
	s25 =	ssub.s32 $0x2, s2;
	s10 =	smul.u32 $0x4E20, s2  }
0xb: {  	s2 =	smul.u32 $0x271000, s2;
	s3 =	sor.u32 s6, s3;
	s7 =	sshrl.u32 s25, $0x1  }
0xc: {  	s29 =	sshrl.u32 s9, $0x2;
	s9 =	sadd.s32 $0x138000, s1;
	s3 =	sadd.s32 s3, s0  }
0xd: {  	s0 =	sadd.s32 $0x4F4E00, s0;
	s15 =	ssub.s32 s25, s7;
	s30 =	sadd.s32 s8, s10  }
.Ltmp0:
0xe: {  	s8 =	sadd.s32 s29, s1;
	s2 =	sshrl.u32 s2, $0x3;
	(pc) =	sbr.rel .LBB2_1-.Ltmp0, $4  }
0xf: {  	s25 =	simm.s32 $0x2;
	s26 =	sadd.s32 $0x2E00, s3;
	s7 =	sadd.s32 $0xAE00, s3  }
0x10: {  	s31 =	sshll.u32 s30, $0x4;
	s15 =	smax.u32 s15, $0x1;
	[dreg:$0x3] =	wrdreg s26  }
0x11: {  	s10 =	sadd.s32 s0, s31;
	s0 =	sadd.s32 s0, s2;
	s26 =	simm.s32 $0x1  }
0x12: {  	v0 =	vimm.f32 $0.0e+00;
	s12 =	sadd.s32 $0x27000, s0;
	s13 =	sadd.s32 $0x27100, s10;
	s14 =	sadd.s32 $0x4E100, s0  }
.LBB2_27:
0x13: {  	[bflag:$0x0] =	sbarrier.arrive $0xFFFF  }
0x14: {  	[hbm:s13], [sflag:s29] =	dma.local [spmem:s30], $0x2700  }
0x15: {  	_ =	swait.ge [sflag:s16], $0x2700  }
0x16: {  	s28 =	sadd.s32 $0x1, s28;
	[sflag:s16] =	ssyncset.done $0x0  }
0x17: {  	s0 =	simm.s32 @!p0 $0x4;
	p1 =	sne.s32 s28, s15;
	[sflag:s16] =	ssyncadd.s32 $0xFFFFD900  }
0x18: {  	[hbm:s14], [sflag:s29] =	dma.local @!p0 [spmem:s31], $0x100  }
.Ltmp1:
0x19: {  	_ =	swait.ge @!p0 [sflag:s0], $0x100;
	(pc) =	sbr.rel @!p1 .LBB2_28-.Ltmp1, $3  }
0x1a: {  	[sflag:s0] =	ssyncset.done @!p0 $0x0  }
0x1b: {  	[sflag:s0] =	ssyncadd.s32 @!p0 $0xFFFFFF00  }
0x1c: {  	[bflag:$0x0] =	sbarrier.arrive $0xFFFF;
	_ =	sdelay $0x1  }
.LBB2_1:
0x1d: {  	s0 =	simm.s32 $0x0;
	s2 =	rddreg [dreg:$0x3]  }
0x1e: {  	[tilespmem:s0], [sflag:$0x4] =	stream.linear.gather [hbm4b:s2+s0], $0x1F80, $0x38;
	[tilespmem:$0x1F8C0] =	vst v63  }
0x1f: {  	_ =	swait.ge [sflag:s16], $0x1F80  }
0x20: {  	[sflag:s16] =	ssyncset.done $0x0  }
0x21: {  	s31 =	simm.s32 $0x2000;
	[sflag:s16] =	ssyncadd.s32 $0xFFFFE080  }
0x22: {  	[tilespmem:s31], [sflag:$0x4] =	stream.linear.gather [hbm4b:s7+s0], $0x1F80, $0x38;
	[tilespmem:$0x1F8C0] =	vst v63  }
0x23: {  	_ =	swait.ge [sflag:s16], $0x1F80  }
0x24: {  	[sflag:s16] =	ssyncset.done $0x0  }
0x25: {  	s2 =	simm.s32 $0x0;
	s0 =	simm.s32 $0x0;
	[sflag:s16] =	ssyncadd.s32 $0xFFFFE080  }
.LBB2_2:
0x26: {  	p1 =	sne.s32 s2, $0x1FC0  }
.Ltmp2:
0x27: {  	_ = 	snop;
	(pc) =	sbr.rel @p1 .LBB2_2-.Ltmp2, $4  }
0x28: {  	s3 =	sand.u32 $0x1E00, s2  }
0x29: {  	s17 =	sand.u32 $0x70, s0;
	s3 =	sshrl.u32 s3, $0x2  }
0x2a: {  	s3 =	sor.u32 s17, s3  }
0x2b: {  	s0 =	sadd.s32 $0x10, s0;
	s2 =	sadd.s32 $0x40, s2;
	[tilespmem:s3+$0xB800] =	vst v0  }
0x2c: {  	s0 =	sadd.s32 $0x0, s8  }
0x2d: {  	[spmem:s0] =	stream.linear.scatter [tilespmem:s18], [sflag:$0x4], $0x800, $0x38;
	[tilespmem:$0x1F8C0] =	vst v63  }
0x2e: {  	s0 =	simm.s32 $0x2000;
	_ =	swait.ge [sflag:s16], $0x800  }
.LBB2_4:
0x2f: {  	s2 =	sshra.s32 s0, $0x2;
	[sflag:s16] =	ssyncset.done $0x0;
	p1 =	sne.s32 s0, $0x4C000  }
.Ltmp3:
0x30: {  	s2 =	sadd.s32 s2, s8;
	[sflag:s16] =	ssyncadd.s32 $0xFFFFF800;
	(pc) =	sbr.rel @p1 .LBB2_4-.Ltmp3, $3  }
0x31: {  	[spmem:s2] =	stream.linear.scatter [tilespmem:s18], [sflag:$0x4], $0x800, $0x38;
	[tilespmem:$0x1F8C0] =	vst v63  }
0x32: {  	s0 =	sadd.s32 $0x2000, s0;
	_ =	sdelay $0x1  }
0x33: {  	_ =	swait.ge [sflag:s16], $0x800  }
0x34: {  	[sflag:s16] =	ssyncset.done $0x0  }
0x35: {  	s0 =	simm.s32 @!p0 $0xB800;
	s2 =	simm.s32 @!p0 $0x4;
	[sflag:s16] =	ssyncadd.s32 $0xFFFFF800  }
0x36: {  	[spmem:s9] =	stream.linear.scatter @!p0 [tilespmem:s0], [sflag:$0x4], $0x800, $0x38;
	[tilespmem:$0x1F8C0] =	vst v63  }
0x37: {  	_ =	swait.ge @!p0 [sflag:s2], $0x800  }
0x38: {  	[sflag:s2] =	ssyncset.done @!p0 $0x0  }
0x39: {  	[sflag:s2] =	ssyncadd.s32 @!p0 $0xFFFFF800  }
0x3a: {  	[spmem:s11] =	stream.linear.scatter @!p0 [tilespmem:s0], [sflag:$0x4], $0x400, $0x38;
	[tilespmem:$0x1F8C0] =	vst v63  }
0x3b: {  	_ =	swait.ge @!p0 [sflag:s2], $0x400  }
0x3c: {  	[sflag:s2] =	ssyncset.done @!p0 $0x0  }
.Ltmp4:
0x3d: {  	[sflag:s2] =	ssyncadd.s32 @!p0 $0xFFFFFC00;
	(pc) =	sbr.rel .LBB2_6-.Ltmp4, $4  }
0x3e: {  	s29 =	simm.s32 $0x0;
	[bflag:$0x0] =	sbarrier.arrive $0xFFFF  }
0x3f: {  	[tilespmem:s20], [sflag:$0x1] =	stream.indirect.gather [hbm4b:s4+s19], $0x80, s29, s19, $0xb8;
	[tilespmem:$0x1F8C0] =	vst v63  }
0x40: {  	s30 =	simm.s32 $0x100;
	s0 =	simm.s32 $0x2000  }
0x41: {  	[tilespmem:s22], [sflag:$0x2] =	stream.indirect.gather [hbm4b:s4+s19], $0x80, s21, s19, $0xb8;
	[tilespmem:$0x1F8C0] =	vst v63  }
.LBB2_13:
0x42: {  	_ =	swait.ge [sflag:s23], $0x2800  }
0x43: {  	[sflag:s23] =	ssyncset.done $0x0  }
0x44: {  	s2 =	simm.s32 $0x4;
	[sflag:s23] =	ssyncadd.s32 $0xFFFFD800  }
0x45: {  	[spmem:s1] =	stream.indirect.scatter.add.f32 [tilespmem:s24], [sflag:$0x4], $0x80, s0, s19, $0xb8;
	[tilespmem:$0x1F8C0] =	vst v63  }
.LBB2_14:
0x46: {  	s29 =	sadd.s32 $0x1, s29  }
0x47: {  	p1 =	sne.s32 s29, $0x3F  }
.Ltmp5:
0x48: {  	_ = 	snop;
	(pc) =	sbr.rel @!p1 .LBB2_15-.Ltmp5, $4  }
0x49: {  	_ = 	snop  }
0x4a: {  	_ =	swait.ge [sflag:s2], $0x2800  }
0x4b: {  	[sflag:s2] =	ssyncset.done $0x0  }
0x4c: {  	s0 =	sadd.s32 $0x80, s0;
	s30 =	sadd.s32 $0x80, s30;
	[sflag:s2] =	ssyncadd.s32 $0xFFFFD800  }
.LBB2_6:
0x4d: {  	s2 =	sadd.s32 $0x2, s29  }
0x4e: {  	s3 =	smul.u32 $0xAB, s2;
	_ =	sdelay $0x1  }
0x4f: {  	s3 =	sshrl.u32 s3, $0x9  }
0x50: {  	s3 =	sand.u32 $0x7F, s3  }
0x51: {  	s3 =	smul.u32 $0x3, s3;
	_ =	sdelay $0x1  }
0x52: {  	p1 =	sgt.u32 s29, $0x3C;
	s2 =	ssub.s32 s2, s3  }
0x53: {  	s2 =	sand.u32 @!p1 $0xFF, s2  }
0x54: {  	p2 =	sne.s32 @!p1 s2, $0x0  }
0x55: {  	p2 =	por p1, p2  }
.Ltmp6:
0x56: {  	_ = 	snop;
	(pc) =	sbr.rel @p2 .LBB2_8-.Ltmp6, $1  }
0x57: {  	_ =	sdelay $0x3  }
.Ltmp7:
0x58: {  	(pc) =	sbr.rel .LBB2_11-.Ltmp7, $2  }
0x59: {  	_ =	sdelay $0x2  }
0x5a: {  	[tilespmem:s20], [sflag:$0x1] =	stream.indirect.gather [hbm4b:s4+s19], $0x80, s30, s19, $0xb8;
	[tilespmem:$0x1F8C0] =	vst v63  }
.LBB2_8:
0x5b: {  	p2 =	sne.s32 @!p1 s2, $0x1  }
0x5c: {  	p2 =	por p1, p2  }
.Ltmp8:
0x5d: {  	_ = 	snop;
	(pc) =	sbr.rel @p2 .LBB2_10-.Ltmp8, $1  }
0x5e: {  	_ =	sdelay $0x3  }
.Ltmp9:
0x5f: {  	(pc) =	sbr.rel .LBB2_11-.Ltmp9, $2  }
0x60: {  	_ =	sdelay $0x2  }
0x61: {  	[tilespmem:s22], [sflag:$0x2] =	stream.indirect.gather [hbm4b:s4+s19], $0x80, s30, s19, $0xb8;
	[tilespmem:$0x1F8C0] =	vst v63  }
.LBB2_10:
0x62: {  	p2 =	sne.s32 @!p1 s2, $0x2  }
0x63: {  	p1 =	por p2, p1  }
0x64: {  	s2 =	simm.s32 @!p1 $0x50;
	s3 =	simm.s32 @!p1 $0x9000  }
0x65: {  	[tilespmem:s3], [sflag:$0x3] =	stream.indirect.gather @!p1 [hbm4b:s4+s2], $0x80, s30, s2, $0xb8;
	[tilespmem:$0x1F8C0] =	vst v63  }
.LBB2_11:
0x66: {  	s2 =	smul.u32 $0xAB, s29;
	_ =	sdelay $0x1  }
0x67: {  	s2 =	sshrl.u32 s2, $0x9  }
0x68: {  	s2 =	sand.u32 $0x7F, s2  }
0x69: {  	s2 =	smul.u32 $0x3, s2;
	_ =	sdelay $0x1  }
0x6a: {  	s2 =	ssub.s32 s29, s2  }
0x6b: {  	s2 =	sand.u32 $0xFF, s2  }
0x6c: {  	p1 =	seq.s32 s2, $0x2  }
.Ltmp10:
0x6d: {  	_ = 	snop;
	(pc) =	sbr.rel @p1 .LBB2_13-.Ltmp10, $1  }
0x6e: {  	_ =	sdelay $0x3  }
0x6f: {  	p1 =	seq.s32 s2, $0x1  }
0x70: {  	_ =	swait.ge @p1 [sflag:s25], $0x2800  }
0x71: {  	[sflag:s25] =	ssyncset.done @p1 $0x0  }
0x72: {  	[sflag:s25] =	ssyncadd.s32 @p1 $0xFFFFD800  }
0x73: {  	[spmem:s1] =	stream.indirect.scatter.add.f32 @p1 [tilespmem:s22], [sflag:$0x5], $0x80, s0, s19, $0xb8;
	[tilespmem:$0x1F8C0] =	vst v63  }
.Ltmp11:
0x74: {  	_ = 	snop;
	(pc) =	sbr.rel .LBB2_14-.Ltmp11, $4  }
0x75: {  	_ =	swait.ge @!p1 [sflag:s26], $0x2800  }
0x76: {  	[sflag:s26] =	ssyncset.done @!p1 $0x0  }
0x77: {  	s2 =	simm.s32 $0x5;
	[sflag:s26] =	ssyncadd.s32 @!p1 $0xFFFFD800  }
0x78: {  	[spmem:s1] =	stream.indirect.scatter.add.f32 @!p1 [tilespmem:s20], [sflag:$0x5], $0x80, s0, s19, $0xb8;
	[tilespmem:$0x1F8C0] =	vst v63  }
.LBB2_15:
0x79: {  	s0 =	stileid.u32  }
0x7a: {  	s0 =	sshll.u32 s0, $0x6  }
0x7b: {  	[bflag:$0x0] =	sbarrier.arrive $0xFFFF;
	s30 =	sshrl.u32 s8, $0x3;
	s29 =	sor.u32 $0x1C04, s0  }
0x7c: {  	[hbm:s10], [sflag:s29] =	dma.local [spmem:s30], $0x2700  }
0x7d: {  	_ =	swait.ge [sflag:s16], $0x2700  }
0x7e: {  	[sflag:s16] =	ssyncset.done $0x0  }
0x7f: {  	s31 =	sshrl.u32 @!p0 s9, $0x3;
	s0 =	simm.s32 @!p0 $0x4;
	[sflag:s16] =	ssyncadd.s32 $0xFFFFD900  }
0x80: {  	[hbm:s12], [sflag:s29] =	dma.local @!p0 [spmem:s31], $0x100  }
0x81: {  	_ =	swait.ge @!p0 [sflag:s0], $0x100  }
0x82: {  	[sflag:s0] =	ssyncset.done @!p0 $0x0  }
0x83: {  	[sflag:s0] =	ssyncadd.s32 @!p0 $0xFFFFFF00  }
0x84: {  	s17 =	sadd.s32 $0x0, s8;
	[bflag:$0x0] =	sbarrier.arrive $0xFFFF  }
0x85: {  	[spmem:s17] =	stream.linear.scatter [tilespmem:s18], [sflag:$0x4], $0x800, $0x38;
	[tilespmem:$0x1F8C0] =	vst v63  }
0x86: {  	s0 =	simm.s32 $0x2000;
	_ =	swait.ge [sflag:s16], $0x800  }
.LBB2_16:
0x87: {  	s2 =	sshra.s32 s0, $0x2;
	[sflag:s16] =	ssyncset.done $0x0;
	p1 =	sne.s32 s0, $0x4C000  }
.Ltmp12:
0x88: {  	s2 =	sadd.s32 s2, s8;
	[sflag:s16] =	ssyncadd.s32 $0xFFFFF800;
	(pc) =	sbr.rel @p1 .LBB2_16-.Ltmp12, $3  }
0x89: {  	[spmem:s2] =	stream.linear.scatter [tilespmem:s18], [sflag:$0x4], $0x800, $0x38;
	[tilespmem:$0x1F8C0] =	vst v63  }
0x8a: {  	s0 =	sadd.s32 $0x2000, s0;
	_ =	sdelay $0x1  }
0x8b: {  	_ =	swait.ge [sflag:s16], $0x800  }
0x8c: {  	[sflag:s16] =	ssyncset.done $0x0  }
0x8d: {  	s0 =	simm.s32 @!p0 $0xB800;
	s2 =	simm.s32 @!p0 $0x4;
	[sflag:s16] =	ssyncadd.s32 $0xFFFFF800  }
0x8e: {  	[spmem:s9] =	stream.linear.scatter @!p0 [tilespmem:s0], [sflag:$0x4], $0x800, $0x38;
	[tilespmem:$0x1F8C0] =	vst v63  }
0x8f: {  	_ =	swait.ge @!p0 [sflag:s2], $0x800  }
0x90: {  	[sflag:s2] =	ssyncset.done @!p0 $0x0  }
0x91: {  	[sflag:s2] =	ssyncadd.s32 @!p0 $0xFFFFF800  }
0x92: {  	[spmem:s11] =	stream.linear.scatter @!p0 [tilespmem:s0], [sflag:$0x4], $0x400, $0x38;
	[tilespmem:$0x1F8C0] =	vst v63  }
0x93: {  	_ =	swait.ge @!p0 [sflag:s2], $0x400  }
0x94: {  	[sflag:s2] =	ssyncset.done @!p0 $0x0  }
.Ltmp13:
0x95: {  	[sflag:s2] =	ssyncadd.s32 @!p0 $0xFFFFFC00;
	(pc) =	sbr.rel .LBB2_18-.Ltmp13, $4  }
0x96: {  	s0 =	simm.s32 $0x0;
	[bflag:$0x0] =	sbarrier.arrive $0xFFFF  }
0x97: {  	[tilespmem:s20], [sflag:$0x1] =	stream.indirect.gather [hbm4b:s5+s19], $0x80, s0, s19, $0xb8;
	[tilespmem:$0x1F8C0] =	vst v63  }
0x98: {  	s17 =	simm.s32 $0x2000;
	s2 =	simm.s32 $0x100  }
0x99: {  	[tilespmem:s22], [sflag:$0x2] =	stream.indirect.gather [hbm4b:s5+s19], $0x80, s21, s19, $0xb8;
	[tilespmem:$0x1F8C0] =	vst v63  }
.LBB2_25:
0x9a: {  	_ =	swait.ge [sflag:s23], $0x2800  }
0x9b: {  	[sflag:s23] =	ssyncset.done $0x0  }
0x9c: {  	s3 =	simm.s32 $0x4;
	[sflag:s23] =	ssyncadd.s32 $0xFFFFD800  }
0x9d: {  	[spmem:s1] =	stream.indirect.scatter.add.f32 [tilespmem:s24], [sflag:$0x4], $0x80, s17, s19, $0xb8;
	[tilespmem:$0x1F8C0] =	vst v63  }
.LBB2_26:
0x9e: {  	s0 =	sadd.s32 $0x1, s0  }
0x9f: {  	p1 =	sne.s32 s0, $0x3F  }
.Ltmp14:
0xa0: {  	_ = 	snop;
	(pc) =	sbr.rel @!p1 .LBB2_27-.Ltmp14, $4  }
0xa1: {  	_ = 	snop  }
0xa2: {  	_ =	swait.ge [sflag:s3], $0x2800  }
0xa3: {  	[sflag:s3] =	ssyncset.done $0x0  }
0xa4: {  	s17 =	sadd.s32 $0x80, s17;
	s2 =	sadd.s32 $0x80, s2;
	[sflag:s3] =	ssyncadd.s32 $0xFFFFD800  }
.LBB2_18:
0xa5: {  	s3 =	sadd.s32 $0x2, s0  }
0xa6: {  	s6 =	smul.u32 $0xAB, s3;
	_ =	sdelay $0x1  }
0xa7: {  	s6 =	sshrl.u32 s6, $0x9  }
0xa8: {  	s6 =	sand.u32 $0x7F, s6  }
0xa9: {  	s6 =	smul.u32 $0x3, s6;
	_ =	sdelay $0x1  }
0xaa: {  	p1 =	sgt.u32 s0, $0x3C;
	s3 =	ssub.s32 s3, s6  }
0xab: {  	s3 =	sand.u32 @!p1 $0xFF, s3  }
0xac: {  	p2 =	sne.s32 @!p1 s3, $0x0  }
0xad: {  	p2 =	por p1, p2  }
.Ltmp15:
0xae: {  	_ = 	snop;
	(pc) =	sbr.rel @p2 .LBB2_20-.Ltmp15, $1  }
0xaf: {  	_ =	sdelay $0x3  }
.Ltmp16:
0xb0: {  	(pc) =	sbr.rel .LBB2_23-.Ltmp16, $2  }
0xb1: {  	_ =	sdelay $0x2  }
0xb2: {  	[tilespmem:s20], [sflag:$0x1] =	stream.indirect.gather [hbm4b:s5+s19], $0x80, s2, s19, $0xb8;
	[tilespmem:$0x1F8C0] =	vst v63  }
.LBB2_20:
0xb3: {  	p2 =	sne.s32 @!p1 s3, $0x1  }
0xb4: {  	p2 =	por p1, p2  }
.Ltmp17:
0xb5: {  	_ = 	snop;
	(pc) =	sbr.rel @p2 .LBB2_22-.Ltmp17, $1  }
0xb6: {  	_ =	sdelay $0x3  }
.Ltmp18:
0xb7: {  	(pc) =	sbr.rel .LBB2_23-.Ltmp18, $2  }
0xb8: {  	_ =	sdelay $0x2  }
0xb9: {  	[tilespmem:s22], [sflag:$0x2] =	stream.indirect.gather [hbm4b:s5+s19], $0x80, s2, s19, $0xb8;
	[tilespmem:$0x1F8C0] =	vst v63  }
.LBB2_22:
0xba: {  	p2 =	sne.s32 @!p1 s3, $0x2  }
0xbb: {  	p1 =	por p2, p1  }
0xbc: {  	s3 =	simm.s32 @!p1 $0x50;
	s6 =	simm.s32 @!p1 $0x9000  }
0xbd: {  	[tilespmem:s6], [sflag:$0x3] =	stream.indirect.gather @!p1 [hbm4b:s5+s3], $0x80, s2, s3, $0xb8;
	[tilespmem:$0x1F8C0] =	vst v63  }
.LBB2_23:
0xbe: {  	s3 =	smul.u32 $0xAB, s0;
	_ =	sdelay $0x1  }
0xbf: {  	s3 =	sshrl.u32 s3, $0x9  }
0xc0: {  	s3 =	sand.u32 $0x7F, s3  }
0xc1: {  	s3 =	smul.u32 $0x3, s3;
	_ =	sdelay $0x1  }
0xc2: {  	s3 =	ssub.s32 s0, s3  }
0xc3: {  	s3 =	sand.u32 $0xFF, s3  }
0xc4: {  	p1 =	seq.s32 s3, $0x2  }
.Ltmp19:
0xc5: {  	_ = 	snop;
	(pc) =	sbr.rel @p1 .LBB2_25-.Ltmp19, $1  }
0xc6: {  	_ =	sdelay $0x3  }
0xc7: {  	p1 =	seq.s32 s3, $0x1  }
0xc8: {  	_ =	swait.ge @p1 [sflag:s25], $0x2800  }
0xc9: {  	[sflag:s25] =	ssyncset.done @p1 $0x0  }
0xca: {  	[sflag:s25] =	ssyncadd.s32 @p1 $0xFFFFD800  }
0xcb: {  	[spmem:s1] =	stream.indirect.scatter.add.f32 @p1 [tilespmem:s22], [sflag:$0x5], $0x80, s17, s19, $0xb8;
	[tilespmem:$0x1F8C0] =	vst v63  }
.Ltmp20:
0xcc: {  	_ = 	snop;
	(pc) =	sbr.rel .LBB2_26-.Ltmp20, $4  }
0xcd: {  	_ =	swait.ge @!p1 [sflag:s26], $0x2800  }
0xce: {  	[sflag:s26] =	ssyncset.done @!p1 $0x0  }
0xcf: {  	s3 =	simm.s32 $0x5;
	[sflag:s26] =	ssyncadd.s32 @!p1 $0xFFFFD800  }
0xd0: {  	[spmem:s1] =	stream.indirect.scatter.add.f32 @!p1 [tilespmem:s20], [sflag:$0x5], $0x80, s17, s19, $0xb8;
	[tilespmem:$0x1F8C0] =	vst v63  }
.LBB2_28:
0xd1: {  	_ =	sfence.sel $0x180000  }
0xd2: {  	[bflag:$0x0] =	sbarrier.arrive $0xFFFF  }
0xd3: {  	_ =	strace $0x90000047  }
0xd4: {  	s0 =	stileid.u32;
	[bflag:$0x2] =	sbarrier.arrive $0xFFFF  }
0xd5: {  	p0 =	sne.s32 s0, $0x0;
	s0 =	rddreg [dreg:$0x2]  }
0xd6: {  	s0 =	sadd.s32 @!p0 $0x100000, s0  }
0xd7: {  	[sflag:s0] =	ssyncadd.tile.s32 @!p0 $0x1;
	_ =	shalt  }
.Lfunc_end2:
_tile_overlayer_lowered:
.L_overlay_start_2:
0xd8: {  	(tag) =	ssettag $0x2  }
0xd9: {  	s0 =	rddreg [dreg:$0x0];
	s2 =	stileid.u32  }
0xda: {  	s1 =	rddreg [dreg:$0x1];
	p0 =	sne.s32 s2, $0x0  }
0xdb: {  	s3 =	rddreg [dreg:$0x2];
	[bflag:$0x3] =	sbarrier.arrive $0xFFFF;
	s2 =	simm.s32 @!p0 $0x1C04  }
0xdc: {  	[timem:s3], [sflag:s2] =	dma.local @!p0 [hbm:s0], s1  }
0xdd: {  	s0 =	simm.s32 @!p0 $0x4  }
0xde: {  	_ =	swait.ge @!p0 [sflag:s0], s1  }
0xdf: {  	s1 =	ssub.s32 @!p0 $0x0, s1;
	[sflag:s0] =	ssyncset.done @!p0 $0x0  }
0xe0: {  	[sflag:s0] =	ssyncadd.s32 @!p0 s1  }
0xe1: {  	[bflag:$0x3] =	sbarrier.arrive $0xFFFF  }
0xe2: {  	_ =	shalt  }

</sc_bundles>
